<compile_context>
chip_gen: v7x
topology: tpu7x:2x2x1
jax: 0.10.2.dev20260603
libtpu: 0.0.44.dev20260713+nightly
codegen_flags: <defaults>
</compile_context>

<pallas_src>
import functools

import jax
import jax.numpy as jnp
from jax import lax
from jax.experimental import pallas as pl
from jax.experimental.pallas import tpu as pltpu
from jax.experimental.pallas import tpu_sc as plsc

N_FACTORS = 32
BATCH = 16384

_info = plsc.get_sparse_core_info()
_NC = _info.num_cores
_NS = _info.num_subcores
_L = _info.num_lanes
_NW = _NC * _NS
_BPW = BATCH // _NW
_Q = 4
_NQ = _BPW // _Q


def _mf_body(uidx_ref, iidx_ref, uembT_ref, iembT_ref, out_ref,
             uidx_v, iidx_v, ubuf, vbuf, out_v, sem0, sem1):
    wid = lax.axis_index("s") * _NC + lax.axis_index("c")
    base = wid * _BPW

    pltpu.sync_copy(uidx_ref.at[pl.ds(base, _BPW)], uidx_v.at[pl.ds(0, _BPW)])
    pltpu.sync_copy(iidx_ref.at[pl.ds(base, _BPW)], iidx_v.at[pl.ds(0, _BPW)])

    lane_iota = lax.iota(jnp.int32, _L)
    rows_lo = lane_iota
    rows_hi = lane_iota + _L

    def fire(vu, vi, lo, slot, sem):
        cps = []
        for j in range(_Q):
            ru = vu[lo + j]
            ri = vi[lo + j]
            uoff = pl.multiple_of(ru - (ru & 127), 128)
            ioff = pl.multiple_of(ri - (ri & 127), 128)
            cps.append(pltpu.async_copy(
                uembT_ref.at[:, pl.ds(uoff, 128)], ubuf.at[slot, j], sem))
            cps.append(pltpu.async_copy(
                iembT_ref.at[:, pl.ds(ioff, 128)], vbuf.at[slot, j], sem))
        return cps

    def drain(cps):
        for cp in cps:
            cp.wait()

    def compute(vu, vi, lo, slot, tc, acc):
        lbase = 4 * (tc & 3)
        for j in range(_Q):
            cu = jnp.full((_L,), vu[lo + j] & 127, jnp.int32)
            ci = jnp.full((_L,), vi[lo + j] & 127, jnp.int32)
            u0 = plsc.load_gather(ubuf.at[slot, j], [rows_lo, cu])
            u1 = plsc.load_gather(ubuf.at[slot, j], [rows_hi, cu])
            v0 = plsc.load_gather(vbuf.at[slot, j], [rows_lo, ci])
            v1 = plsc.load_gather(vbuf.at[slot, j], [rows_hi, ci])
            s = jnp.sum(u0 * v0 + u1 * v1)
            acc = jnp.where(lane_iota == lbase + j, s, acc)
        return acc

    def flush(tc, acc):
        @pl.when((tc & 3) == 3)
        def _():
            out_v[pl.ds((tc >> 2) * _L, _L)] = acc
        return jnp.where((tc & 3) == 3, jnp.zeros((_L,), jnp.float32), acc)

    def body(q, carry):
        vu_prev, vi_prev, acc = carry
        vu = uidx_v[pl.ds(q * 8, _L)]
        vi = iidx_v[pl.ds(q * 8, _L)]
        cps_a = fire(vu, vi, 0, 0, sem0)

        def prev_work(acc):
            for _ in range(8):
                pltpu.make_async_copy(
                    uembT_ref.at[:, pl.ds(0, 128)], ubuf.at[1, 0], sem1).wait()
            acc = compute(vu_prev, vi_prev, 4, 1, 2 * q - 1, acc)
            return flush(2 * q - 1, acc)

        acc = lax.cond(q > 0, prev_work, lambda a: a, acc)
        cps_b = fire(vu, vi, 4, 1, sem1)
        drain(cps_a)
        acc = compute(vu, vi, 0, 0, 2 * q, acc)
        acc = flush(2 * q, acc)
        del cps_b
        return vu, vi, acc

    vu_l, vi_l, acc = lax.fori_loop(
        0, _NQ // 2, body,
        (jnp.zeros((_L,), jnp.int32), jnp.zeros((_L,), jnp.int32),
         jnp.zeros((_L,), jnp.float32)))

    for _ in range(8):
        pltpu.make_async_copy(
            uembT_ref.at[:, pl.ds(0, 128)], ubuf.at[1, 0], sem1).wait()
    acc = compute(vu_l, vi_l, 4, 1, _NQ - 1, acc)
    out_v[pl.ds((_NQ // 4 - 1) * _L, _L)] = acc

    pltpu.sync_copy(out_v, out_ref.at[pl.ds(base, _BPW)])


@functools.partial(
    pl.kernel,
    out_type=jax.ShapeDtypeStruct((BATCH,), jnp.float32),
    mesh=plsc.VectorSubcoreMesh(core_axis_name="c", subcore_axis_name="s"),
    compiler_params=pltpu.CompilerParams(needs_layout_passes=False),
    scratch_types=[
        pltpu.VMEM((_BPW + _L,), jnp.int32),
        pltpu.VMEM((_BPW + _L,), jnp.int32),
        pltpu.VMEM((2, _Q, N_FACTORS, 128), jnp.float32),
        pltpu.VMEM((2, _Q, N_FACTORS, 128), jnp.float32),
        pltpu.VMEM((_BPW,), jnp.float32),
        pltpu.SemaphoreType.DMA,
        pltpu.SemaphoreType.DMA,
    ],
)
def _mf_kernel(uidx, iidx, uembT, iembT, out,
               uidx_v, iidx_v, ubuf, vbuf, out_v, sem0, sem1):
    _mf_body(uidx, iidx, uembT, iembT, out,
             uidx_v, iidx_v, ubuf, vbuf, out_v, sem0, sem1)


def kernel(user_idx, item_idx, user_emb, item_emb):
    uidx = user_idx.astype(jnp.int32)
    iidx = item_idx.astype(jnp.int32)
    return _mf_kernel(uidx, iidx, user_emb.T, item_emb.T)

# --- scband reference (transcript-rebuilt; emitter-appended) ---
"""Pipeline reference for scband-matrix-factorization-py-torch-50448685859383 (READ-ONLY COPY).

The authoritative reference and input builder live on the scoring server;
editing this copy changes nothing except your own understanding.
"""

import jax, jax.numpy as jnp
import numpy as np

N_USERS = 1000000
N_ITEMS = 1000000
N_FACTORS = 32
BATCH = 16384

def setup_inputs(seed: int = 0) -> dict:
    key = jax.random.key(seed)
    k1, k2, k3, k4 = jax.random.split(key, 4)
    user_idx = jax.random.randint(k1, (BATCH,), 0, N_USERS, dtype=jnp.int64 if jax.config.read('jax_enable_x64') else jnp.int32)
    item_idx = jax.random.randint(k2, (BATCH,), 0, N_ITEMS, dtype=jnp.int64 if jax.config.read('jax_enable_x64') else jnp.int32)
    user_emb = jax.random.normal(k3, (N_USERS, N_FACTORS), dtype=jnp.float32) * 0.1
    item_emb = jax.random.normal(k4, (N_ITEMS, N_FACTORS), dtype=jnp.float32) * 0.1
    return {"user_idx": user_idx, "item_idx": item_idx, "user_emb": user_emb, "item_emb": item_emb}

def reference(user_idx, item_idx, user_emb, item_emb):
    u = jnp.take(user_emb, user_idx, axis=0)
    v = jnp.take(item_emb, item_idx, axis=0)
    return (u * v).sum(axis=1)

if __name__ == "__main__":
    import jax
    _d = setup_inputs()
    print(jax.jit(kernel)(*tuple(_d.values())))

</pallas_src>

<mosaic_0001>
#map = affine_map<(d0, d1) -> (0)>
#map1 = affine_map<(d0, d1) -> (0, 0)>
module attributes {stable_mosaic.version = 14 : i64} {
  func.func @_mf_kernel(%arg0: i32, %arg1: i32, %arg2: memref<16384xi32, #tpu.memory_space<hbm>>, %arg3: memref<16384xi32, #tpu.memory_space<hbm>>, %arg4: memref<32x1000000xf32, #tpu.memory_space<hbm>>, %arg5: memref<32x1000000xf32, #tpu.memory_space<hbm>>, %arg6: memref<16384xf32, #tpu.memory_space<hbm>>, %arg7: memref<528xi32, #tpu.memory_space<vmem>>, %arg8: memref<528xi32, #tpu.memory_space<vmem>>, %arg9: memref<2x4x32x128xf32, #tpu.memory_space<vmem>>, %arg10: memref<2x4x32x128xf32, #tpu.memory_space<vmem>>, %arg11: memref<512xf32, #tpu.memory_space<vmem>>, %arg12: memref<!tpu.dma_semaphore, #tpu.memory_space<semaphore_mem>>, %arg13: memref<!tpu.dma_semaphore, #tpu.memory_space<semaphore_mem>>) attributes {dimension_semantics = [#tpu.dimension_semantics<core_parallel>, #tpu.dimension_semantics<subcore_parallel>], iteration_bounds = array<i64: 2, 16>, scalar_prefetch = 0 : i64, scratch_operands = 7 : i64, tpu.core_type = #tpu.core_type<sc_vector_subcore>, window_params = [{transform_indices = #map}, {transform_indices = #map}, {transform_indices = #map1}, {transform_indices = #map1}, {transform_indices = #map}]} {
    %mul3A = arith.constant 2 : i32
    %mul3A_0 = arith.muli %arg1, %mul3A : i32
    %add3A = arith.addi %mul3A_0, %arg0 : i32
    %mul3A_1 = arith.constant 512 : i32
    %mul3A_2 = arith.muli %add3A, %mul3A_1 : i32
    "tpu.region"() ({
      %run_scoped3A = tpu.sem_alloc : memref<!tpu.dma_semaphore, #tpu.memory_space<semaphore_mem>>
      %dma_start3A = arith.constant 0 : i32
      %dma_start3A_337 = tpu.memref_slice %arg7[%dma_start3A] : memref<528xi32, #tpu.memory_space<vmem>> -> memref<512xi32, #tpu.memory_space<vmem>>
      %dma_start3A_338 = tpu.memref_slice %arg2[%mul3A_2] : memref<16384xi32, #tpu.memory_space<hbm>> -> memref<512xi32, #tpu.memory_space<hbm>>
      %dma_start3A_339 = arith.constant 0 : i32
      %dma_start3A_340 = tpu.memref_slice %arg7[%dma_start3A_339] : memref<528xi32, #tpu.memory_space<vmem>> -> memref<512xi32, #tpu.memory_space<vmem>>
      %dma_start3A_341 = tpu.memref_slice %arg2[%mul3A_2] : memref<16384xi32, #tpu.memory_space<hbm>> -> memref<512xi32, #tpu.memory_space<hbm>>
      tpu.enqueue_dma source(%dma_start3A_341 : memref<512xi32, #tpu.memory_space<hbm>>) target(%dma_start3A_340 : memref<512xi32, #tpu.memory_space<vmem>>) target_semaphore(%run_scoped3A : memref<!tpu.dma_semaphore, #tpu.memory_space<semaphore_mem>>)
      %dma_wait3A_342 = arith.constant 0 : i32
      %dma_wait3A_343 = tpu.memref_slice %arg7[%dma_wait3A_342] : memref<528xi32, #tpu.memory_space<vmem>> -> memref<512xi32, #tpu.memory_space<vmem>>
      %dma_wait3A_344 = tpu.memref_slice %arg2[%mul3A_2] : memref<16384xi32, #tpu.memory_space<hbm>> -> memref<512xi32, #tpu.memory_space<hbm>>
      %dma_wait3A_345 = arith.constant 0 : i32
      %dma_wait3A_346 = tpu.memref_slice %arg7[%dma_wait3A_345] : memref<528xi32, #tpu.memory_space<vmem>> -> memref<512xi32, #tpu.memory_space<vmem>>
      %dma_wait3A_347 = tpu.memref_slice %arg2[%mul3A_2] : memref<16384xi32, #tpu.memory_space<hbm>> -> memref<512xi32, #tpu.memory_space<hbm>>
      tpu.wait_dma2 semaphore(%run_scoped3A : memref<!tpu.dma_semaphore, #tpu.memory_space<semaphore_mem>>) src(%dma_wait3A_347 : memref<512xi32, #tpu.memory_space<hbm>>) dst(%dma_wait3A_346 : memref<512xi32, #tpu.memory_space<vmem>>)
      tpu.yield
    }) : () -> ()
    "tpu.region"() ({
      %run_scoped3A = tpu.sem_alloc : memref<!tpu.dma_semaphore, #tpu.memory_space<semaphore_mem>>
      %dma_start3A = arith.constant 0 : i32
      %dma_start3A_337 = tpu.memref_slice %arg8[%dma_start3A] : memref<528xi32, #tpu.memory_space<vmem>> -> memref<512xi32, #tpu.memory_space<vmem>>
      %dma_start3A_338 = tpu.memref_slice %arg3[%mul3A_2] : memref<16384xi32, #tpu.memory_space<hbm>> -> memref<512xi32, #tpu.memory_space<hbm>>
      %dma_start3A_339 = arith.constant 0 : i32
      %dma_start3A_340 = tpu.memref_slice %arg8[%dma_start3A_339] : memref<528xi32, #tpu.memory_space<vmem>> -> memref<512xi32, #tpu.memory_space<vmem>>
      %dma_start3A_341 = tpu.memref_slice %arg3[%mul3A_2] : memref<16384xi32, #tpu.memory_space<hbm>> -> memref<512xi32, #tpu.memory_space<hbm>>
      tpu.enqueue_dma source(%dma_start3A_341 : memref<512xi32, #tpu.memory_space<hbm>>) target(%dma_start3A_340 : memref<512xi32, #tpu.memory_space<vmem>>) target_semaphore(%run_scoped3A : memref<!tpu.dma_semaphore, #tpu.memory_space<semaphore_mem>>)
      %dma_wait3A_342 = arith.constant 0 : i32
      %dma_wait3A_343 = tpu.memref_slice %arg8[%dma_wait3A_342] : memref<528xi32, #tpu.memory_space<vmem>> -> memref<512xi32, #tpu.memory_space<vmem>>
      %dma_wait3A_344 = tpu.memref_slice %arg3[%mul3A_2] : memref<16384xi32, #tpu.memory_space<hbm>> -> memref<512xi32, #tpu.memory_space<hbm>>
      %dma_wait3A_345 = arith.constant 0 : i32
      %dma_wait3A_346 = tpu.memref_slice %arg8[%dma_wait3A_345] : memref<528xi32, #tpu.memory_space<vmem>> -> memref<512xi32, #tpu.memory_space<vmem>>
      %dma_wait3A_347 = tpu.memref_slice %arg3[%mul3A_2] : memref<16384xi32, #tpu.memory_space<hbm>> -> memref<512xi32, #tpu.memory_space<hbm>>
      tpu.wait_dma2 semaphore(%run_scoped3A : memref<!tpu.dma_semaphore, #tpu.memory_space<semaphore_mem>>) src(%dma_wait3A_347 : memref<512xi32, #tpu.memory_space<hbm>>) dst(%dma_wait3A_346 : memref<512xi32, #tpu.memory_space<vmem>>)
      tpu.yield
    }) : () -> ()
    %iota3A = tpu.iota {dimensions = array<i32: 0>} : vector<16xi32>
    %add3A_3 = arith.constant 16 : i32
    %add3A_4 = vector.broadcast %add3A_3 : i32 to vector<16xi32>
    %add3A_5 = arith.addi %iota3A, %add3A_4 : vector<16xi32>
    %broadcast_in_dim3A = arith.constant 0 : i32
    %broadcast_in_dim3A_6 = vector.broadcast %broadcast_in_dim3A : i32 to vector<16xi32>
    %broadcast_in_dim3A_7 = arith.constant 0 : i32
    %broadcast_in_dim3A_8 = vector.broadcast %broadcast_in_dim3A_7 : i32 to vector<16xi32>
    %broadcast_in_dim3A_9 = arith.constant 0.000000e+00 : f32
    %broadcast_in_dim3A_10 = vector.broadcast %broadcast_in_dim3A_9 : f32 to vector<16xf32>
    %scan3A = arith.constant 0 : i32
    %scan3A_11 = arith.constant 64 : i32
    %scan3A_12 = arith.addi %scan3A, %scan3A_11 : i32
    %scan3A_13 = arith.constant 1 : i32
    %scan3A_14:3 = scf.for %scan3A_337 = %scan3A to %scan3A_12 step %scan3A_13 iter_args(%scan3A_338 = %broadcast_in_dim3A_6, %scan3A_339 = %broadcast_in_dim3A_8, %scan3A_340 = %broadcast_in_dim3A_10) -> (vector<16xi32>, vector<16xi32>, vector<16xf32>)  : i32 {
      %mul3A_341 = arith.constant 8 : i32
      %mul3A_342 = arith.muli %scan3A_337, %mul3A_341 : i32
      %get3A = arith.index_cast %mul3A_342 : i32 to index
      %get3A_343 = tpu.vector_load %arg7[%get3A] {strides = array<i32>} : memref<528xi32, #tpu.memory_space<vmem>>, vector<16xi32>,
      %mul3A_344 = arith.constant 8 : i32
      %mul3A_345 = arith.muli %scan3A_337, %mul3A_344 : i32
      %get3A_346 = arith.index_cast %mul3A_345 : i32 to index
      %get3A_347 = tpu.vector_load %arg8[%get3A_346] {strides = array<i32>} : memref<528xi32, #tpu.memory_space<vmem>>, vector<16xi32>,
      %slice3A_348 = vector.extract_strided_slice %get3A_343 {offsets = [0], sizes = [1], strides = [1]} : vector<16xi32> to vector<1xi32>
      %squeeze3A_349 = vector.extract %slice3A_348[0] : i32 from vector<1xi32>
      %slice3A_350 = vector.extract_strided_slice %get3A_347 {offsets = [0], sizes = [1], strides = [1]} : vector<16xi32> to vector<1xi32>
      %squeeze3A_351 = vector.extract %slice3A_350[0] : i32 from vector<1xi32>
      %and3A_352 = arith.constant 127 : i32
      %and3A_353 = arith.andi %squeeze3A_349, %and3A_352 : i32
      %sub3A = arith.subi %squeeze3A_349, %and3A_353 : i32
      %multiple_of3A = tpu.assume_multiple %sub3A, 128 : i32
      %and3A_354 = arith.constant 127 : i32
      %and3A_355 = arith.andi %squeeze3A_351, %and3A_354 : i32
      %sub3A_356 = arith.subi %squeeze3A_351, %and3A_355 : i32
      %multiple_of3A_357 = tpu.assume_multiple %sub3A_356, 128 : i32
      %dma_start3A = arith.constant 0 : i32
      %dma_start3A_358 = arith.constant 0 : i32
      %dma_start3A_359 = arith.constant 0 : i32
      %dma_start3A_360 = arith.constant 0 : i32
      %dma_start3A_361 = tpu.memref_slice %arg9[%dma_start3A, %dma_start3A_358, %dma_start3A_359, %dma_start3A_360] : memref<2x4x32x128xf32, #tpu.memory_space<vmem>> -> memref<1x1x32x128xf32, #tpu.memory_space<vmem>>
      %dma_start3A_362 = tpu.memref_squeeze %dma_start3A_361 : memref<1x1x32x128xf32, #tpu.memory_space<vmem>> -> memref<32x128xf32, #tpu.memory_space<vmem>>
      %dma_start3A_363 = arith.constant 0 : i32
      %dma_start3A_364 = tpu.memref_slice %arg4[%dma_start3A_363, %multiple_of3A] : memref<32x1000000xf32, #tpu.memory_space<hbm>> -> memref<32x128xf32, #tpu.memory_space<hbm>>
      %dma_start3A_365 = arith.constant 0 : i32
      %dma_start3A_366 = arith.constant 0 : i32
      %dma_start3A_367 = tpu.memref_slice %arg9[%dma_start3A, %dma_start3A_358, %dma_start3A_365, %dma_start3A_366] : memref<2x4x32x128xf32, #tpu.memory_space<vmem>> -> memref<1x1x32x128xf32, #tpu.memory_space<vmem>>
      %dma_start3A_368 = tpu.memref_squeeze %dma_start3A_367 : memref<1x1x32x128xf32, #tpu.memory_space<vmem>> -> memref<32x128xf32, #tpu.memory_space<vmem>>
      %dma_start3A_369 = arith.constant 0 : i32
      %dma_start3A_370 = tpu.memref_slice %arg4[%dma_start3A_369, %multiple_of3A] : memref<32x1000000xf32, #tpu.memory_space<hbm>> -> memref<32x128xf32, #tpu.memory_space<hbm>>
      tpu.enqueue_dma source(%dma_start3A_370 : memref<32x128xf32, #tpu.memory_space<hbm>>) target(%dma_start3A_368 : memref<32x128xf32, #tpu.memory_space<vmem>>) target_semaphore(%arg12 : memref<!tpu.dma_semaphore, #tpu.memory_space<semaphore_mem>>)
      %dma_start3A_371 = arith.constant 0 : i32
      %dma_start3A_372 = arith.constant 0 : i32
      %dma_start3A_373 = arith.constant 0 : i32
      %dma_start3A_374 = arith.constant 0 : i32
      %dma_start3A_375 = tpu.memref_slice %arg10[%dma_start3A_371, %dma_start3A_372, %dma_start3A_373, %dma_start3A_374] : memref<2x4x32x128xf32, #tpu.memory_space<vmem>> -> memref<1x1x32x128xf32, #tpu.memory_space<vmem>>
      %dma_start3A_376 = tpu.memref_squeeze %dma_start3A_375 : memref<1x1x32x128xf32, #tpu.memory_space<vmem>> -> memref<32x128xf32, #tpu.memory_space<vmem>>
      %dma_start3A_377 = arith.constant 0 : i32
      %dma_start3A_378 = tpu.memref_slice %arg5[%dma_start3A_377, %multiple_of3A_357] : memref<32x1000000xf32, #tpu.memory_space<hbm>> -> memref<32x128xf32, #tpu.memory_space<hbm>>
      %dma_start3A_379 = arith.constant 0 : i32
      %dma_start3A_380 = arith.constant 0 : i32
      %dma_start3A_381 = tpu.memref_slice %arg10[%dma_start3A_371, %dma_start3A_372, %dma_start3A_379, %dma_start3A_380] : memref<2x4x32x128xf32, #tpu.memory_space<vmem>> -> memref<1x1x32x128xf32, #tpu.memory_space<vmem>>
      %dma_start3A_382 = tpu.memref_squeeze %dma_start3A_381 : memref<1x1x32x128xf32, #tpu.memory_space<vmem>> -> memref<32x128xf32, #tpu.memory_space<vmem>>
      %dma_start3A_383 = arith.constant 0 : i32
      %dma_start3A_384 = tpu.memref_slice %arg5[%dma_start3A_383, %multiple_of3A_357] : memref<32x1000000xf32, #tpu.memory_space<hbm>> -> memref<32x128xf32, #tpu.memory_space<hbm>>
      tpu.enqueue_dma source(%dma_start3A_384 : memref<32x128xf32, #tpu.memory_space<hbm>>) target(%dma_start3A_382 : memref<32x128xf32, #tpu.memory_space<vmem>>) target_semaphore(%arg12 : memref<!tpu.dma_semaphore, #tpu.memory_space<semaphore_mem>>)
      %slice3A_385 = vector.extract_strided_slice %get3A_343 {offsets = [1], sizes = [1], strides = [1]} : vector<16xi32> to vector<1xi32>
      %squeeze3A_386 = vector.extract %slice3A_385[0] : i32 from vector<1xi32>
      %slice3A_387 = vector.extract_strided_slice %get3A_347 {offsets = [1], sizes = [1], strides = [1]} : vector<16xi32> to vector<1xi32>
      %squeeze3A_388 = vector.extract %slice3A_387[0] : i32 from vector<1xi32>
      %and3A_389 = arith.constant 127 : i32
      %and3A_390 = arith.andi %squeeze3A_386, %and3A_389 : i32
      %sub3A_391 = arith.subi %squeeze3A_386, %and3A_390 : i32
      %multiple_of3A_392 = tpu.assume_multiple %sub3A_391, 128 : i32
      %and3A_393 = arith.constant 127 : i32
      %and3A_394 = arith.andi %squeeze3A_388, %and3A_393 : i32
      %sub3A_395 = arith.subi %squeeze3A_388, %and3A_394 : i32
      %multiple_of3A_396 = tpu.assume_multiple %sub3A_395, 128 : i32
      %dma_start3A_397 = arith.constant 0 : i32
      %dma_start3A_398 = arith.constant 1 : i32
      %dma_start3A_399 = arith.constant 0 : i32
      %dma_start3A_400 = arith.constant 0 : i32
      %dma_start3A_401 = tpu.memref_slice %arg9[%dma_start3A_397, %dma_start3A_398, %dma_start3A_399, %dma_start3A_400] : memref<2x4x32x128xf32, #tpu.memory_space<vmem>> -> memref<1x1x32x128xf32, #tpu.memory_space<vmem>>
      %dma_start3A_402 = tpu.memref_squeeze %dma_start3A_401 : memref<1x1x32x128xf32, #tpu.memory_space<vmem>> -> memref<32x128xf32, #tpu.memory_space<vmem>>
      %dma_start3A_403 = arith.constant 0 : i32
      %dma_start3A_404 = tpu.memref_slice %arg4[%dma_start3A_403, %multiple_of3A_392] : memref<32x1000000xf32, #tpu.memory_space<hbm>> -> memref<32x128xf32, #tpu.memory_space<hbm>>
      %dma_start3A_405 = arith.constant 0 : i32
      %dma_start3A_406 = arith.constant 0 : i32
      %dma_start3A_407 = tpu.memref_slice %arg9[%dma_start3A_397, %dma_start3A_398, %dma_start3A_405, %dma_start3A_406] : memref<2x4x32x128xf32, #tpu.memory_space<vmem>> -> memref<1x1x32x128xf32, #tpu.memory_space<vmem>>
      %dma_start3A_408 = tpu.memref_squeeze %dma_start3A_407 : memref<1x1x32x128xf32, #tpu.memory_space<vmem>> -> memref<32x128xf32, #tpu.memory_space<vmem>>
      %dma_start3A_409 = arith.constant 0 : i32
      %dma_start3A_410 = tpu.memref_slice %arg4[%dma_start3A_409, %multiple_of3A_392] : memref<32x1000000xf32, #tpu.memory_space<hbm>> -> memref<32x128xf32, #tpu.memory_space<hbm>>
      tpu.enqueue_dma source(%dma_start3A_410 : memref<32x128xf32, #tpu.memory_space<hbm>>) target(%dma_start3A_408 : memref<32x128xf32, #tpu.memory_space<vmem>>) target_semaphore(%arg12 : memref<!tpu.dma_semaphore, #tpu.memory_space<semaphore_mem>>)
      %dma_start3A_411 = arith.constant 0 : i32
      %dma_start3A_412 = arith.constant 1 : i32
      %dma_start3A_413 = arith.constant 0 : i32
      %dma_start3A_414 = arith.constant 0 : i32
      %dma_start3A_415 = tpu.memref_slice %arg10[%dma_start3A_411, %dma_start3A_412, %dma_start3A_413, %dma_start3A_414] : memref<2x4x32x128xf32, #tpu.memory_space<vmem>> -> memref<1x1x32x128xf32, #tpu.memory_space<vmem>>
      %dma_start3A_416 = tpu.memref_squeeze %dma_start3A_415 : memref<1x1x32x128xf32, #tpu.memory_space<vmem>> -> memref<32x128xf32, #tpu.memory_space<vmem>>
      %dma_start3A_417 = arith.constant 0 : i32
      %dma_start3A_418 = tpu.memref_slice %arg5[%dma_start3A_417, %multiple_of3A_396] : memref<32x1000000xf32, #tpu.memory_space<hbm>> -> memref<32x128xf32, #tpu.memory_space<hbm>>
      %dma_start3A_419 = arith.constant 0 : i32
      %dma_start3A_420 = arith.constant 0 : i32
      %dma_start3A_421 = tpu.memref_slice %arg10[%dma_start3A_411, %dma_start3A_412, %dma_start3A_419, %dma_start3A_420] : memref<2x4x32x128xf32, #tpu.memory_space<vmem>> -> memref<1x1x32x128xf32, #tpu.memory_space<vmem>>
      %dma_start3A_422 = tpu.memref_squeeze %dma_start3A_421 : memref<1x1x32x128xf32, #tpu.memory_space<vmem>> -> memref<32x128xf32, #tpu.memory_space<vmem>>
      %dma_start3A_423 = arith.constant 0 : i32
      %dma_start3A_424 = tpu.memref_slice %arg5[%dma_start3A_423, %multiple_of3A_396] : memref<32x1000000xf32, #tpu.memory_space<hbm>> -> memref<32x128xf32, #tpu.memory_space<hbm>>
      tpu.enqueue_dma source(%dma_start3A_424 : memref<32x128xf32, #tpu.memory_space<hbm>>) target(%dma_start3A_422 : memref<32x128xf32, #tpu.memory_space<vmem>>) target_semaphore(%arg12 : memref<!tpu.dma_semaphore, #tpu.memory_space<semaphore_mem>>)
      %slice3A_425 = vector.extract_strided_slice %get3A_343 {offsets = [2], sizes = [1], strides = [1]} : vector<16xi32> to vector<1xi32>
      %squeeze3A_426 = vector.extract %slice3A_425[0] : i32 from vector<1xi32>
      %slice3A_427 = vector.extract_strided_slice %get3A_347 {offsets = [2], sizes = [1], strides = [1]} : vector<16xi32> to vector<1xi32>
      %squeeze3A_428 = vector.extract %slice3A_427[0] : i32 from vector<1xi32>
      %and3A_429 = arith.constant 127 : i32
      %and3A_430 = arith.andi %squeeze3A_426, %and3A_429 : i32
      %sub3A_431 = arith.subi %squeeze3A_426, %and3A_430 : i32
      %multiple_of3A_432 = tpu.assume_multiple %sub3A_431, 128 : i32
      %and3A_433 = arith.constant 127 : i32
      %and3A_434 = arith.andi %squeeze3A_428, %and3A_433 : i32
      %sub3A_435 = arith.subi %squeeze3A_428, %and3A_434 : i32
      %multiple_of3A_436 = tpu.assume_multiple %sub3A_435, 128 : i32
      %dma_start3A_437 = arith.constant 0 : i32
      %dma_start3A_438 = arith.constant 2 : i32
      %dma_start3A_439 = arith.constant 0 : i32
      %dma_start3A_440 = arith.constant 0 : i32
      %dma_start3A_441 = tpu.memref_slice %arg9[%dma_start3A_437, %dma_start3A_438, %dma_start3A_439, %dma_start3A_440] : memref<2x4x32x128xf32, #tpu.memory_space<vmem>> -> memref<1x1x32x128xf32, #tpu.memory_space<vmem>>
      %dma_start3A_442 = tpu.memref_squeeze %dma_start3A_441 : memref<1x1x32x128xf32, #tpu.memory_space<vmem>> -> memref<32x128xf32, #tpu.memory_space<vmem>>
      %dma_start3A_443 = arith.constant 0 : i32
      %dma_start3A_444 = tpu.memref_slice %arg4[%dma_start3A_443, %multiple_of3A_432] : memref<32x1000000xf32, #tpu.memory_space<hbm>> -> memref<32x128xf32, #tpu.memory_space<hbm>>
      %dma_start3A_445 = arith.constant 0 : i32
      %dma_start3A_446 = arith.constant 0 : i32
      %dma_start3A_447 = tpu.memref_slice %arg9[%dma_start3A_437, %dma_start3A_438, %dma_start3A_445, %dma_start3A_446] : memref<2x4x32x128xf32, #tpu.memory_space<vmem>> -> memref<1x1x32x128xf32, #tpu.memory_space<vmem>>
      %dma_start3A_448 = tpu.memref_squeeze %dma_start3A_447 : memref<1x1x32x128xf32, #tpu.memory_space<vmem>> -> memref<32x128xf32, #tpu.memory_space<vmem>>
      %dma_start3A_449 = arith.constant 0 : i32
      %dma_start3A_450 = tpu.memref_slice %arg4[%dma_start3A_449, %multiple_of3A_432] : memref<32x1000000xf32, #tpu.memory_space<hbm>> -> memref<32x128xf32, #tpu.memory_space<hbm>>
      tpu.enqueue_dma source(%dma_start3A_450 : memref<32x128xf32, #tpu.memory_space<hbm>>) target(%dma_start3A_448 : memref<32x128xf32, #tpu.memory_space<vmem>>) target_semaphore(%arg12 : memref<!tpu.dma_semaphore, #tpu.memory_space<semaphore_mem>>)
      %dma_start3A_451 = arith.constant 0 : i32
      %dma_start3A_452 = arith.constant 2 : i32
      %dma_start3A_453 = arith.constant 0 : i32
      %dma_start3A_454 = arith.constant 0 : i32
      %dma_start3A_455 = tpu.memref_slice %arg10[%dma_start3A_451, %dma_start3A_452, %dma_start3A_453, %dma_start3A_454] : memref<2x4x32x128xf32, #tpu.memory_space<vmem>> -> memref<1x1x32x128xf32, #tpu.memory_space<vmem>>
      %dma_start3A_456 = tpu.memref_squeeze %dma_start3A_455 : memref<1x1x32x128xf32, #tpu.memory_space<vmem>> -> memref<32x128xf32, #tpu.memory_space<vmem>>
      %dma_start3A_457 = arith.constant 0 : i32
      %dma_start3A_458 = tpu.memref_slice %arg5[%dma_start3A_457, %multiple_of3A_436] : memref<32x1000000xf32, #tpu.memory_space<hbm>> -> memref<32x128xf32, #tpu.memory_space<hbm>>
      %dma_start3A_459 = arith.constant 0 : i32
      %dma_start3A_460 = arith.constant 0 : i32
      %dma_start3A_461 = tpu.memref_slice %arg10[%dma_start3A_451, %dma_start3A_452, %dma_start3A_459, %dma_start3A_460] : memref<2x4x32x128xf32, #tpu.memory_space<vmem>> -> memref<1x1x32x128xf32, #tpu.memory_space<vmem>>
      %dma_start3A_462 = tpu.memref_squeeze %dma_start3A_461 : memref<1x1x32x128xf32, #tpu.memory_space<vmem>> -> memref<32x128xf32, #tpu.memory_space<vmem>>
      %dma_start3A_463 = arith.constant 0 : i32
      %dma_start3A_464 = tpu.memref_slice %arg5[%dma_start3A_463, %multiple_of3A_436] : memref<32x1000000xf32, #tpu.memory_space<hbm>> -> memref<32x128xf32, #tpu.memory_space<hbm>>
      tpu.enqueue_dma source(%dma_start3A_464 : memref<32x128xf32, #tpu.memory_space<hbm>>) target(%dma_start3A_462 : memref<32x128xf32, #tpu.memory_space<vmem>>) target_semaphore(%arg12 : memref<!tpu.dma_semaphore, #tpu.memory_space<semaphore_mem>>)
      %slice3A_465 = vector.extract_strided_slice %get3A_343 {offsets = [3], sizes = [1], strides = [1]} : vector<16xi32> to vector<1xi32>
      %squeeze3A_466 = vector.extract %slice3A_465[0] : i32 from vector<1xi32>
      %slice3A_467 = vector.extract_strided_slice %get3A_347 {offsets = [3], sizes = [1], strides = [1]} : vector<16xi32> to vector<1xi32>
      %squeeze3A_468 = vector.extract %slice3A_467[0] : i32 from vector<1xi32>
      %and3A_469 = arith.constant 127 : i32
      %and3A_470 = arith.andi %squeeze3A_466, %and3A_469 : i32
      %sub3A_471 = arith.subi %squeeze3A_466, %and3A_470 : i32
      %multiple_of3A_472 = tpu.assume_multiple %sub3A_471, 128 : i32
      %and3A_473 = arith.constant 127 : i32
      %and3A_474 = arith.andi %squeeze3A_468, %and3A_473 : i32
      %sub3A_475 = arith.subi %squeeze3A_468, %and3A_474 : i32
      %multiple_of3A_476 = tpu.assume_multiple %sub3A_475, 128 : i32
      %dma_start3A_477 = arith.constant 0 : i32
      %dma_start3A_478 = arith.constant 3 : i32
      %dma_start3A_479 = arith.constant 0 : i32
      %dma_start3A_480 = arith.constant 0 : i32
      %dma_start3A_481 = tpu.memref_slice %arg9[%dma_start3A_477, %dma_start3A_478, %dma_start3A_479, %dma_start3A_480] : memref<2x4x32x128xf32, #tpu.memory_space<vmem>> -> memref<1x1x32x128xf32, #tpu.memory_space<vmem>>
      %dma_start3A_482 = tpu.memref_squeeze %dma_start3A_481 : memref<1x1x32x128xf32, #tpu.memory_space<vmem>> -> memref<32x128xf32, #tpu.memory_space<vmem>>
      %dma_start3A_483 = arith.constant 0 : i32
      %dma_start3A_484 = tpu.memref_slice %arg4[%dma_start3A_483, %multiple_of3A_472] : memref<32x1000000xf32, #tpu.memory_space<hbm>> -> memref<32x128xf32, #tpu.memory_space<hbm>>
      %dma_start3A_485 = arith.constant 0 : i32
      %dma_start3A_486 = arith.constant 0 : i32
      %dma_start3A_487 = tpu.memref_slice %arg9[%dma_start3A_477, %dma_start3A_478, %dma_start3A_485, %dma_start3A_486] : memref<2x4x32x128xf32, #tpu.memory_space<vmem>> -> memref<1x1x32x128xf32, #tpu.memory_space<vmem>>
      %dma_start3A_488 = tpu.memref_squeeze %dma_start3A_487 : memref<1x1x32x128xf32, #tpu.memory_space<vmem>> -> memref<32x128xf32, #tpu.memory_space<vmem>>
      %dma_start3A_489 = arith.constant 0 : i32
      %dma_start3A_490 = tpu.memref_slice %arg4[%dma_start3A_489, %multiple_of3A_472] : memref<32x1000000xf32, #tpu.memory_space<hbm>> -> memref<32x128xf32, #tpu.memory_space<hbm>>
      tpu.enqueue_dma source(%dma_start3A_490 : memref<32x128xf32, #tpu.memory_space<hbm>>) target(%dma_start3A_488 : memref<32x128xf32, #tpu.memory_space<vmem>>) target_semaphore(%arg12 : memref<!tpu.dma_semaphore, #tpu.memory_space<semaphore_mem>>)
      %dma_start3A_491 = arith.constant 0 : i32
      %dma_start3A_492 = arith.constant 3 : i32
      %dma_start3A_493 = arith.constant 0 : i32
      %dma_start3A_494 = arith.constant 0 : i32
      %dma_start3A_495 = tpu.memref_slice %arg10[%dma_start3A_491, %dma_start3A_492, %dma_start3A_493, %dma_start3A_494] : memref<2x4x32x128xf32, #tpu.memory_space<vmem>> -> memref<1x1x32x128xf32, #tpu.memory_space<vmem>>
      %dma_start3A_496 = tpu.memref_squeeze %dma_start3A_495 : memref<1x1x32x128xf32, #tpu.memory_space<vmem>> -> memref<32x128xf32, #tpu.memory_space<vmem>>
      %dma_start3A_497 = arith.constant 0 : i32
      %dma_start3A_498 = tpu.memref_slice %arg5[%dma_start3A_497, %multiple_of3A_476] : memref<32x1000000xf32, #tpu.memory_space<hbm>> -> memref<32x128xf32, #tpu.memory_space<hbm>>
      %dma_start3A_499 = arith.constant 0 : i32
      %dma_start3A_500 = arith.constant 0 : i32
      %dma_start3A_501 = tpu.memref_slice %arg10[%dma_start3A_491, %dma_start3A_492, %dma_start3A_499, %dma_start3A_500] : memref<2x4x32x128xf32, #tpu.memory_space<vmem>> -> memref<1x1x32x128xf32, #tpu.memory_space<vmem>>
      %dma_start3A_502 = tpu.memref_squeeze %dma_start3A_501 : memref<1x1x32x128xf32, #tpu.memory_space<vmem>> -> memref<32x128xf32, #tpu.memory_space<vmem>>
      %dma_start3A_503 = arith.constant 0 : i32
      %dma_start3A_504 = tpu.memref_slice %arg5[%dma_start3A_503, %multiple_of3A_476] : memref<32x1000000xf32, #tpu.memory_space<hbm>> -> memref<32x128xf32, #tpu.memory_space<hbm>>
      tpu.enqueue_dma source(%dma_start3A_504 : memref<32x128xf32, #tpu.memory_space<hbm>>) target(%dma_start3A_502 : memref<32x128xf32, #tpu.memory_space<vmem>>) target_semaphore(%arg12 : memref<!tpu.dma_semaphore, #tpu.memory_space<semaphore_mem>>)
      %gt3A = arith.constant 0 : i32
      %gt3A_505 = arith.cmpi sgt, %scan3A_337, %gt3A : i32
      %convert_element_type3A = arith.extui %gt3A_505 : i1 to i32
      %cond3A = arith.constant 0 : i32
      %cond3A_506 = arith.cmpi ne, %convert_element_type3A, %cond3A : i32
      %cond3A_507 = scf.if %cond3A_506 -> (vector<16xf32>) {
        %dma_wait3A_1006 = arith.constant 1 : i32
        %dma_wait3A_1007 = arith.constant 0 : i32
        %dma_wait3A_1008 = arith.constant 0 : i32
        %dma_wait3A_1009 = arith.constant 0 : i32
        %dma_wait3A_1010 = tpu.memref_slice %arg9[%dma_wait3A_1006, %dma_wait3A_1007, %dma_wait3A_1008, %dma_wait3A_1009] : memref<2x4x32x128xf32, #tpu.memory_space<vmem>> -> memref<1x1x32x128xf32, #tpu.memory_space<vmem>>
        %dma_wait3A_1011 = tpu.memref_squeeze %dma_wait3A_1010 : memref<1x1x32x128xf32, #tpu.memory_space<vmem>> -> memref<32x128xf32, #tpu.memory_space<vmem>>
        %dma_wait3A_1012 = arith.constant 0 : i32
        %dma_wait3A_1013 = arith.constant 0 : i32
        %dma_wait3A_1014 = tpu.memref_slice %arg4[%dma_wait3A_1012, %dma_wait3A_1013] : memref<32x1000000xf32, #tpu.memory_space<hbm>> -> memref<32x128xf32, #tpu.memory_space<hbm>>
        %dma_wait3A_1015 = arith.constant 0 : i32
        %dma_wait3A_1016 = arith.constant 0 : i32
        %dma_wait3A_1017 = tpu.memref_slice %arg9[%dma_wait3A_1006, %dma_wait3A_1007, %dma_wait3A_1015, %dma_wait3A_1016] : memref<2x4x32x128xf32, #tpu.memory_space<vmem>> -> memref<1x1x32x128xf32, #tpu.memory_space<vmem>>
        %dma_wait3A_1018 = tpu.memref_squeeze %dma_wait3A_1017 : memref<1x1x32x128xf32, #tpu.memory_space<vmem>> -> memref<32x128xf32, #tpu.memory_space<vmem>>
        %dma_wait3A_1019 = arith.constant 0 : i32
        %dma_wait3A_1020 = arith.constant 0 : i32
        %dma_wait3A_1021 = tpu.memref_slice %arg4[%dma_wait3A_1019, %dma_wait3A_1020] : memref<32x1000000xf32, #tpu.memory_space<hbm>> -> memref<32x128xf32, #tpu.memory_space<hbm>>
        tpu.wait_dma2 semaphore(%arg13 : memref<!tpu.dma_semaphore, #tpu.memory_space<semaphore_mem>>) src(%dma_wait3A_1021 : memref<32x128xf32, #tpu.memory_space<hbm>>) dst(%dma_wait3A_1018 : memref<32x128xf32, #tpu.memory_space<vmem>>)
        %dma_wait3A_1022 = arith.constant 1 : i32
        %dma_wait3A_1023 = arith.constant 0 : i32
        %dma_wait3A_1024 = arith.constant 0 : i32
        %dma_wait3A_1025 = arith.constant 0 : i32
        %dma_wait3A_1026 = tpu.memref_slice %arg9[%dma_wait3A_1022, %dma_wait3A_1023, %dma_wait3A_1024, %dma_wait3A_1025] : memref<2x4x32x128xf32, #tpu.memory_space<vmem>> -> memref<1x1x32x128xf32, #tpu.memory_space<vmem>>
        %dma_wait3A_1027 = tpu.memref_squeeze %dma_wait3A_1026 : memref<1x1x32x128xf32, #tpu.memory_space<vmem>> -> memref<32x128xf32, #tpu.memory_space<vmem>>
        %dma_wait3A_1028 = arith.constant 0 : i32
        %dma_wait3A_1029 = arith.constant 0 : i32
        %dma_wait3A_1030 = tpu.memref_slice %arg4[%dma_wait3A_1028, %dma_wait3A_1029] : memref<32x1000000xf32, #tpu.memory_space<hbm>> -> memref<32x128xf32, #tpu.memory_space<hbm>>
        %dma_wait3A_1031 = arith.constant 0 : i32
        %dma_wait3A_1032 = arith.constant 0 : i32
        %dma_wait3A_1033 = tpu.memref_slice %arg9[%dma_wait3A_1022, %dma_wait3A_1023, %dma_wait3A_1031, %dma_wait3A_1032] : memref<2x4x32x128xf32, #tpu.memory_space<vmem>> -> memref<1x1x32x128xf32, #tpu.memory_space<vmem>>
        %dma_wait3A_1034 = tpu.memref_squeeze %dma_wait3A_1033 : memref<1x1x32x128xf32, #tpu.memory_space<vmem>> -> memref<32x128xf32, #tpu.memory_space<vmem>>
        %dma_wait3A_1035 = arith.constant 0 : i32
        %dma_wait3A_1036 = arith.constant 0 : i32
        %dma_wait3A_1037 = tpu.memref_slice %arg4[%dma_wait3A_1035, %dma_wait3A_1036] : memref<32x1000000xf32, #tpu.memory_space<hbm>> -> memref<32x128xf32, #tpu.memory_space<hbm>>
        tpu.wait_dma2 semaphore(%arg13 : memref<!tpu.dma_semaphore, #tpu.memory_space<semaphore_mem>>) src(%dma_wait3A_1037 : memref<32x128xf32, #tpu.memory_space<hbm>>) dst(%dma_wait3A_1034 : memref<32x128xf32, #tpu.memory_space<vmem>>)
        %dma_wait3A_1038 = arith.constant 1 : i32
        %dma_wait3A_1039 = arith.constant 0 : i32
        %dma_wait3A_1040 = arith.constant 0 : i32
        %dma_wait3A_1041 = arith.constant 0 : i32
        %dma_wait3A_1042 = tpu.memref_slice %arg9[%dma_wait3A_1038, %dma_wait3A_1039, %dma_wait3A_1040, %dma_wait3A_1041] : memref<2x4x32x128xf32, #tpu.memory_space<vmem>> -> memref<1x1x32x128xf32, #tpu.memory_space<vmem>>
        %dma_wait3A_1043 = tpu.memref_squeeze %dma_wait3A_1042 : memref<1x1x32x128xf32, #tpu.memory_space<vmem>> -> memref<32x128xf32, #tpu.memory_space<vmem>>
        %dma_wait3A_1044 = arith.constant 0 : i32
        %dma_wait3A_1045 = arith.constant 0 : i32
        %dma_wait3A_1046 = tpu.memref_slice %arg4[%dma_wait3A_1044, %dma_wait3A_1045] : memref<32x1000000xf32, #tpu.memory_space<hbm>> -> memref<32x128xf32, #tpu.memory_space<hbm>>
        %dma_wait3A_1047 = arith.constant 0 : i32
        %dma_wait3A_1048 = arith.constant 0 : i32
        %dma_wait3A_1049 = tpu.memref_slice %arg9[%dma_wait3A_1038, %dma_wait3A_1039, %dma_wait3A_1047, %dma_wait3A_1048] : memref<2x4x32x128xf32, #tpu.memory_space<vmem>> -> memref<1x1x32x128xf32, #tpu.memory_space<vmem>>
        %dma_wait3A_1050 = tpu.memref_squeeze %dma_wait3A_1049 : memref<1x1x32x128xf32, #tpu.memory_space<vmem>> -> memref<32x128xf32, #tpu.memory_space<vmem>>
        %dma_wait3A_1051 = arith.constant 0 : i32
        %dma_wait3A_1052 = arith.constant 0 : i32
        %dma_wait3A_1053 = tpu.memref_slice %arg4[%dma_wait3A_1051, %dma_wait3A_1052] : memref<32x1000000xf32, #tpu.memory_space<hbm>> -> memref<32x128xf32, #tpu.memory_space<hbm>>
        tpu.wait_dma2 semaphore(%arg13 : memref<!tpu.dma_semaphore, #tpu.memory_space<semaphore_mem>>) src(%dma_wait3A_1053 : memref<32x128xf32, #tpu.memory_space<hbm>>) dst(%dma_wait3A_1050 : memref<32x128xf32, #tpu.memory_space<vmem>>)
        %dma_wait3A_1054 = arith.constant 1 : i32
        %dma_wait3A_1055 = arith.constant 0 : i32
        %dma_wait3A_1056 = arith.constant 0 : i32
        %dma_wait3A_1057 = arith.constant 0 : i32
        %dma_wait3A_1058 = tpu.memref_slice %arg9[%dma_wait3A_1054, %dma_wait3A_1055, %dma_wait3A_1056, %dma_wait3A_1057] : memref<2x4x32x128xf32, #tpu.memory_space<vmem>> -> memref<1x1x32x128xf32, #tpu.memory_space<vmem>>
        %dma_wait3A_1059 = tpu.memref_squeeze %dma_wait3A_1058 : memref<1x1x32x128xf32, #tpu.memory_space<vmem>> -> memref<32x128xf32, #tpu.memory_space<vmem>>
        %dma_wait3A_1060 = arith.constant 0 : i32
        %dma_wait3A_1061 = arith.constant 0 : i32
        %dma_wait3A_1062 = tpu.memref_slice %arg4[%dma_wait3A_1060, %dma_wait3A_1061] : memref<32x1000000xf32, #tpu.memory_space<hbm>> -> memref<32x128xf32, #tpu.memory_space<hbm>>
        %dma_wait3A_1063 = arith.constant 0 : i32
        %dma_wait3A_1064 = arith.constant 0 : i32
        %dma_wait3A_1065 = tpu.memref_slice %arg9[%dma_wait3A_1054, %dma_wait3A_1055, %dma_wait3A_1063, %dma_wait3A_1064] : memref<2x4x32x128xf32, #tpu.memory_space<vmem>> -> memref<1x1x32x128xf32, #tpu.memory_space<vmem>>
        %dma_wait3A_1066 = tpu.memref_squeeze %dma_wait3A_1065 : memref<1x1x32x128xf32, #tpu.memory_space<vmem>> -> memref<32x128xf32, #tpu.memory_space<vmem>>
        %dma_wait3A_1067 = arith.constant 0 : i32
        %dma_wait3A_1068 = arith.constant 0 : i32
        %dma_wait3A_1069 = tpu.memref_slice %arg4[%dma_wait3A_1067, %dma_wait3A_1068] : memref<32x1000000xf32, #tpu.memory_space<hbm>> -> memref<32x128xf32, #tpu.memory_space<hbm>>
        tpu.wait_dma2 semaphore(%arg13 : memref<!tpu.dma_semaphore, #tpu.memory_space<semaphore_mem>>) src(%dma_wait3A_1069 : memref<32x128xf32, #tpu.memory_space<hbm>>) dst(%dma_wait3A_1066 : memref<32x128xf32, #tpu.memory_space<vmem>>)
        %dma_wait3A_1070 = arith.constant 1 : i32
        %dma_wait3A_1071 = arith.constant 0 : i32
        %dma_wait3A_1072 = arith.constant 0 : i32
        %dma_wait3A_1073 = arith.constant 0 : i32
        %dma_wait3A_1074 = tpu.memref_slice %arg9[%dma_wait3A_1070, %dma_wait3A_1071, %dma_wait3A_1072, %dma_wait3A_1073] : memref<2x4x32x128xf32, #tpu.memory_space<vmem>> -> memref<1x1x32x128xf32, #tpu.memory_space<vmem>>
        %dma_wait3A_1075 = tpu.memref_squeeze %dma_wait3A_1074 : memref<1x1x32x128xf32, #tpu.memory_space<vmem>> -> memref<32x128xf32, #tpu.memory_space<vmem>>
        %dma_wait3A_1076 = arith.constant 0 : i32
        %dma_wait3A_1077 = arith.constant 0 : i32
        %dma_wait3A_1078 = tpu.memref_slice %arg4[%dma_wait3A_1076, %dma_wait3A_1077] : memref<32x1000000xf32, #tpu.memory_space<hbm>> -> memref<32x128xf32, #tpu.memory_space<hbm>>
        %dma_wait3A_1079 = arith.constant 0 : i32
        %dma_wait3A_1080 = arith.constant 0 : i32
        %dma_wait3A_1081 = tpu.memref_slice %arg9[%dma_wait3A_1070, %dma_wait3A_1071, %dma_wait3A_1079, %dma_wait3A_1080] : memref<2x4x32x128xf32, #tpu.memory_space<vmem>> -> memref<1x1x32x128xf32, #tpu.memory_space<vmem>>
        %dma_wait3A_1082 = tpu.memref_squeeze %dma_wait3A_1081 : memref<1x1x32x128xf32, #tpu.memory_space<vmem>> -> memref<32x128xf32, #tpu.memory_space<vmem>>
        %dma_wait3A_1083 = arith.constant 0 : i32
        %dma_wait3A_1084 = arith.constant 0 : i32
        %dma_wait3A_1085 = tpu.memref_slice %arg4[%dma_wait3A_1083, %dma_wait3A_1084] : memref<32x1000000xf32, #tpu.memory_space<hbm>> -> memref<32x128xf32, #tpu.memory_space<hbm>>
        tpu.wait_dma2 semaphore(%arg13 : memref<!tpu.dma_semaphore, #tpu.memory_space<semaphore_mem>>) src(%dma_wait3A_1085 : memref<32x128xf32, #tpu.memory_space<hbm>>) dst(%dma_wait3A_1082 : memref<32x128xf32, #tpu.memory_space<vmem>>)
        %dma_wait3A_1086 = arith.constant 1 : i32
        %dma_wait3A_1087 = arith.constant 0 : i32
        %dma_wait3A_1088 = arith.constant 0 : i32
        %dma_wait3A_1089 = arith.constant 0 : i32
        %dma_wait3A_1090 = tpu.memref_slice %arg9[%dma_wait3A_1086, %dma_wait3A_1087, %dma_wait3A_1088, %dma_wait3A_1089] : memref<2x4x32x128xf32, #tpu.memory_space<vmem>> -> memref<1x1x32x128xf32, #tpu.memory_space<vmem>>
        %dma_wait3A_1091 = tpu.memref_squeeze %dma_wait3A_1090 : memref<1x1x32x128xf32, #tpu.memory_space<vmem>> -> memref<32x128xf32, #tpu.memory_space<vmem>>
        %dma_wait3A_1092 = arith.constant 0 : i32
        %dma_wait3A_1093 = arith.constant 0 : i32
        %dma_wait3A_1094 = tpu.memref_slice %arg4[%dma_wait3A_1092, %dma_wait3A_1093] : memref<32x1000000xf32, #tpu.memory_space<hbm>> -> memref<32x128xf32, #tpu.memory_space<hbm>>
        %dma_wait3A_1095 = arith.constant 0 : i32
        %dma_wait3A_1096 = arith.constant 0 : i32
        %dma_wait3A_1097 = tpu.memref_slice %arg9[%dma_wait3A_1086, %dma_wait3A_1087, %dma_wait3A_1095, %dma_wait3A_1096] : memref<2x4x32x128xf32, #tpu.memory_space<vmem>> -> memref<1x1x32x128xf32, #tpu.memory_space<vmem>>
        %dma_wait3A_1098 = tpu.memref_squeeze %dma_wait3A_1097 : memref<1x1x32x128xf32, #tpu.memory_space<vmem>> -> memref<32x128xf32, #tpu.memory_space<vmem>>
        %dma_wait3A_1099 = arith.constant 0 : i32
        %dma_wait3A_1100 = arith.constant 0 : i32
        %dma_wait3A_1101 = tpu.memref_slice %arg4[%dma_wait3A_1099, %dma_wait3A_1100] : memref<32x1000000xf32, #tpu.memory_space<hbm>> -> memref<32x128xf32, #tpu.memory_space<hbm>>
        tpu.wait_dma2 semaphore(%arg13 : memref<!tpu.dma_semaphore, #tpu.memory_space<semaphore_mem>>) src(%dma_wait3A_1101 : memref<32x128xf32, #tpu.memory_space<hbm>>) dst(%dma_wait3A_1098 : memref<32x128xf32, #tpu.memory_space<vmem>>)
        %dma_wait3A_1102 = arith.constant 1 : i32
        %dma_wait3A_1103 = arith.constant 0 : i32
        %dma_wait3A_1104 = arith.constant 0 : i32
        %dma_wait3A_1105 = arith.constant 0 : i32
        %dma_wait3A_1106 = tpu.memref_slice %arg9[%dma_wait3A_1102, %dma_wait3A_1103, %dma_wait3A_1104, %dma_wait3A_1105] : memref<2x4x32x128xf32, #tpu.memory_space<vmem>> -> memref<1x1x32x128xf32, #tpu.memory_space<vmem>>
        %dma_wait3A_1107 = tpu.memref_squeeze %dma_wait3A_1106 : memref<1x1x32x128xf32, #tpu.memory_space<vmem>> -> memref<32x128xf32, #tpu.memory_space<vmem>>
        %dma_wait3A_1108 = arith.constant 0 : i32
        %dma_wait3A_1109 = arith.constant 0 : i32
        %dma_wait3A_1110 = tpu.memref_slice %arg4[%dma_wait3A_1108, %dma_wait3A_1109] : memref<32x1000000xf32, #tpu.memory_space<hbm>> -> memref<32x128xf32, #tpu.memory_space<hbm>>
        %dma_wait3A_1111 = arith.constant 0 : i32
        %dma_wait3A_1112 = arith.constant 0 : i32
        %dma_wait3A_1113 = tpu.memref_slice %arg9[%dma_wait3A_1102, %dma_wait3A_1103, %dma_wait3A_1111, %dma_wait3A_1112] : memref<2x4x32x128xf32, #tpu.memory_space<vmem>> -> memref<1x1x32x128xf32, #tpu.memory_space<vmem>>
        %dma_wait3A_1114 = tpu.memref_squeeze %dma_wait3A_1113 : memref<1x1x32x128xf32, #tpu.memory_space<vmem>> -> memref<32x128xf32, #tpu.memory_space<vmem>>
        %dma_wait3A_1115 = arith.constant 0 : i32
        %dma_wait3A_1116 = arith.constant 0 : i32
        %dma_wait3A_1117 = tpu.memref_slice %arg4[%dma_wait3A_1115, %dma_wait3A_1116] : memref<32x1000000xf32, #tpu.memory_space<hbm>> -> memref<32x128xf32, #tpu.memory_space<hbm>>
        tpu.wait_dma2 semaphore(%arg13 : memref<!tpu.dma_semaphore, #tpu.memory_space<semaphore_mem>>) src(%dma_wait3A_1117 : memref<32x128xf32, #tpu.memory_space<hbm>>) dst(%dma_wait3A_1114 : memref<32x128xf32, #tpu.memory_space<vmem>>)
        %dma_wait3A_1118 = arith.constant 1 : i32
        %dma_wait3A_1119 = arith.constant 0 : i32
        %dma_wait3A_1120 = arith.constant 0 : i32
        %dma_wait3A_1121 = arith.constant 0 : i32
        %dma_wait3A_1122 = tpu.memref_slice %arg9[%dma_wait3A_1118, %dma_wait3A_1119, %dma_wait3A_1120, %dma_wait3A_1121] : memref<2x4x32x128xf32, #tpu.memory_space<vmem>> -> memref<1x1x32x128xf32, #tpu.memory_space<vmem>>
        %dma_wait3A_1123 = tpu.memref_squeeze %dma_wait3A_1122 : memref<1x1x32x128xf32, #tpu.memory_space<vmem>> -> memref<32x128xf32, #tpu.memory_space<vmem>>
        %dma_wait3A_1124 = arith.constant 0 : i32
        %dma_wait3A_1125 = arith.constant 0 : i32
        %dma_wait3A_1126 = tpu.memref_slice %arg4[%dma_wait3A_1124, %dma_wait3A_1125] : memref<32x1000000xf32, #tpu.memory_space<hbm>> -> memref<32x128xf32, #tpu.memory_space<hbm>>
        %dma_wait3A_1127 = arith.constant 0 : i32
        %dma_wait3A_1128 = arith.constant 0 : i32
        %dma_wait3A_1129 = tpu.memref_slice %arg9[%dma_wait3A_1118, %dma_wait3A_1119, %dma_wait3A_1127, %dma_wait3A_1128] : memref<2x4x32x128xf32, #tpu.memory_space<vmem>> -> memref<1x1x32x128xf32, #tpu.memory_space<vmem>>
        %dma_wait3A_1130 = tpu.memref_squeeze %dma_wait3A_1129 : memref<1x1x32x128xf32, #tpu.memory_space<vmem>> -> memref<32x128xf32, #tpu.memory_space<vmem>>
        %dma_wait3A_1131 = arith.constant 0 : i32
        %dma_wait3A_1132 = arith.constant 0 : i32
        %dma_wait3A_1133 = tpu.memref_slice %arg4[%dma_wait3A_1131, %dma_wait3A_1132] : memref<32x1000000xf32, #tpu.memory_space<hbm>> -> memref<32x128xf32, #tpu.memory_space<hbm>>
        tpu.wait_dma2 semaphore(%arg13 : memref<!tpu.dma_semaphore, #tpu.memory_space<semaphore_mem>>) src(%dma_wait3A_1133 : memref<32x128xf32, #tpu.memory_space<hbm>>) dst(%dma_wait3A_1130 : memref<32x128xf32, #tpu.memory_space<vmem>>)
        %mul3A_1134 = arith.constant 2 : i32
        %mul3A_1135 = arith.muli %mul3A_1134, %scan3A_337 : i32
        %sub3A_1136 = arith.constant 1 : i32
        %sub3A_1137 = arith.subi %mul3A_1135, %sub3A_1136 : i32
        %and3A_1138 = arith.constant 3 : i32
        %and3A_1139 = arith.andi %sub3A_1137, %and3A_1138 : i32
        %mul3A_1140 = arith.constant 4 : i32
        %mul3A_1141 = arith.muli %mul3A_1140, %and3A_1139 : i32
        %slice3A_1142 = vector.extract_strided_slice %scan3A_338 {offsets = [4], sizes = [1], strides = [1]} : vector<16xi32> to vector<1xi32>
        %squeeze3A_1143 = vector.extract %slice3A_1142[0] : i32 from vector<1xi32>
        %and3A_1144 = arith.constant 127 : i32
        %and3A_1145 = arith.andi %squeeze3A_1143, %and3A_1144 : i32
        %broadcast_in_dim3A_1146 = vector.broadcast %and3A_1145 : i32 to vector<16xi32>
        %slice3A_1147 = vector.extract_strided_slice %scan3A_339 {offsets = [4], sizes = [1], strides = [1]} : vector<16xi32> to vector<1xi32>
        %squeeze3A_1148 = vector.extract %slice3A_1147[0] : i32 from vector<1xi32>
        %and3A_1149 = arith.constant 127 : i32
        %and3A_1150 = arith.andi %squeeze3A_1148, %and3A_1149 : i32
        %broadcast_in_dim3A_1151 = vector.broadcast %and3A_1150 : i32 to vector<16xi32>
        %gather3A_1152 = arith.constant 1 : i32
        %gather3A_1153 = arith.constant 0 : i32
        %gather3A_1154 = arith.constant 0 : i32
        %gather3A_1155 = arith.constant 0 : i32
        %gather3A_1156 = tpu.memref_slice %arg9[%gather3A_1152, %gather3A_1153, %gather3A_1154, %gather3A_1155] : memref<2x4x32x128xf32, #tpu.memory_space<vmem>> -> memref<1x1x32x128xf32, #tpu.memory_space<vmem>>
        %gather3A_1157 = tpu.memref_squeeze %gather3A_1156 : memref<1x1x32x128xf32, #tpu.memory_space<vmem>> -> memref<32x128xf32, #tpu.memory_space<vmem>>
        %gather3A_1158 = tpu.vector_load_idx %gather3A_1157[%iota3A, %broadcast_in_dim3A_1146] : memref<32x128xf32, #tpu.memory_space<vmem>>[vector<16xi32>, vector<16xi32>], vector<16xf32>,
        %gather3A_1159 = arith.constant 1 : i32
        %gather3A_1160 = arith.constant 0 : i32
        %gather3A_1161 = arith.constant 0 : i32
        %gather3A_1162 = arith.constant 0 : i32
        %gather3A_1163 = tpu.memref_slice %arg9[%gather3A_1159, %gather3A_1160, %gather3A_1161, %gather3A_1162] : memref<2x4x32x128xf32, #tpu.memory_space<vmem>> -> memref<1x1x32x128xf32, #tpu.memory_space<vmem>>
        %gather3A_1164 = tpu.memref_squeeze %gather3A_1163 : memref<1x1x32x128xf32, #tpu.memory_space<vmem>> -> memref<32x128xf32, #tpu.memory_space<vmem>>
        %gather3A_1165 = tpu.vector_load_idx %gather3A_1164[%add3A_5, %broadcast_in_dim3A_1146] : memref<32x128xf32, #tpu.memory_space<vmem>>[vector<16xi32>, vector<16xi32>], vector<16xf32>,
        %gather3A_1166 = arith.constant 1 : i32
        %gather3A_1167 = arith.constant 0 : i32
        %gather3A_1168 = arith.constant 0 : i32
        %gather3A_1169 = arith.constant 0 : i32
        %gather3A_1170 = tpu.memref_slice %arg10[%gather3A_1166, %gather3A_1167, %gather3A_1168, %gather3A_1169] : memref<2x4x32x128xf32, #tpu.memory_space<vmem>> -> memref<1x1x32x128xf32, #tpu.memory_space<vmem>>
        %gather3A_1171 = tpu.memref_squeeze %gather3A_1170 : memref<1x1x32x128xf32, #tpu.memory_space<vmem>> -> memref<32x128xf32, #tpu.memory_space<vmem>>
        %gather3A_1172 = tpu.vector_load_idx %gather3A_1171[%iota3A, %broadcast_in_dim3A_1151] : memref<32x128xf32, #tpu.memory_space<vmem>>[vector<16xi32>, vector<16xi32>], vector<16xf32>,
        %gather3A_1173 = arith.constant 1 : i32
        %gather3A_1174 = arith.constant 0 : i32
        %gather3A_1175 = arith.constant 0 : i32
        %gather3A_1176 = arith.constant 0 : i32
        %gather3A_1177 = tpu.memref_slice %arg10[%gather3A_1173, %gather3A_1174, %gather3A_1175, %gather3A_1176] : memref<2x4x32x128xf32, #tpu.memory_space<vmem>> -> memref<1x1x32x128xf32, #tpu.memory_space<vmem>>
        %gather3A_1178 = tpu.memref_squeeze %gather3A_1177 : memref<1x1x32x128xf32, #tpu.memory_space<vmem>> -> memref<32x128xf32, #tpu.memory_space<vmem>>
        %gather3A_1179 = tpu.vector_load_idx %gather3A_1178[%add3A_5, %broadcast_in_dim3A_1151] : memref<32x128xf32, #tpu.memory_space<vmem>>[vector<16xi32>, vector<16xi32>], vector<16xf32>,
        %mul3A_1180 = arith.mulf %gather3A_1158, %gather3A_1172 : vector<16xf32>
        %mul3A_1181 = arith.mulf %gather3A_1165, %gather3A_1179 : vector<16xf32>
        %add3A_1182 = arith.addf %mul3A_1180, %mul3A_1181 : vector<16xf32>
        %reduce_sum3A_1183 = arith.constant true
        %reduce_sum3A_1184 = vector.broadcast %reduce_sum3A_1183 : i1 to vector<16xi1>
        %reduce_sum3A_1185 = tpu.scan <sum>, %add3A_1182 masked %reduce_sum3A_1184 : vector<16xf32>, vector<16xi1> -> vector<16xf32>
        %reduce_sum3A_1186 = vector.extract %reduce_sum3A_1185[15] : f32 from vector<16xf32>
        %add3A_1187 = arith.constant 0 : i32
        %add3A_1188 = arith.addi %mul3A_1141, %add3A_1187 : i32
        %eq3A_1189 = vector.broadcast %add3A_1188 : i32 to vector<16xi32>
        %eq3A_1190 = arith.cmpi eq, %iota3A, %eq3A_1189 : vector<16xi32>
        %broadcast_in_dim3A_1191 = vector.broadcast %reduce_sum3A_1186 : f32 to vector<16xf32>
        %select_n3A_1192 = arith.select %eq3A_1190, %broadcast_in_dim3A_1191, %scan3A_340 : vector<16xi1>, vector<16xf32>
        %slice3A_1193 = vector.extract_strided_slice %scan3A_338 {offsets = [5], sizes = [1], strides = [1]} : vector<16xi32> to vector<1xi32>
        %squeeze3A_1194 = vector.extract %slice3A_1193[0] : i32 from vector<1xi32>
        %and3A_1195 = arith.constant 127 : i32
        %and3A_1196 = arith.andi %squeeze3A_1194, %and3A_1195 : i32
        %broadcast_in_dim3A_1197 = vector.broadcast %and3A_1196 : i32 to vector<16xi32>
        %slice3A_1198 = vector.extract_strided_slice %scan3A_339 {offsets = [5], sizes = [1], strides = [1]} : vector<16xi32> to vector<1xi32>
        %squeeze3A_1199 = vector.extract %slice3A_1198[0] : i32 from vector<1xi32>
        %and3A_1200 = arith.constant 127 : i32
        %and3A_1201 = arith.andi %squeeze3A_1199, %and3A_1200 : i32
        %broadcast_in_dim3A_1202 = vector.broadcast %and3A_1201 : i32 to vector<16xi32>
        %gather3A_1203 = arith.constant 1 : i32
        %gather3A_1204 = arith.constant 1 : i32
        %gather3A_1205 = arith.constant 0 : i32
        %gather3A_1206 = arith.constant 0 : i32
        %gather3A_1207 = tpu.memref_slice %arg9[%gather3A_1203, %gather3A_1204, %gather3A_1205, %gather3A_1206] : memref<2x4x32x128xf32, #tpu.memory_space<vmem>> -> memref<1x1x32x128xf32, #tpu.memory_space<vmem>>
        %gather3A_1208 = tpu.memref_squeeze %gather3A_1207 : memref<1x1x32x128xf32, #tpu.memory_space<vmem>> -> memref<32x128xf32, #tpu.memory_space<vmem>>
        %gather3A_1209 = tpu.vector_load_idx %gather3A_1208[%iota3A, %broadcast_in_dim3A_1197] : memref<32x128xf32, #tpu.memory_space<vmem>>[vector<16xi32>, vector<16xi32>], vector<16xf32>,
        %gather3A_1210 = arith.constant 1 : i32
        %gather3A_1211 = arith.constant 1 : i32
        %gather3A_1212 = arith.constant 0 : i32
        %gather3A_1213 = arith.constant 0 : i32
        %gather3A_1214 = tpu.memref_slice %arg9[%gather3A_1210, %gather3A_1211, %gather3A_1212, %gather3A_1213] : memref<2x4x32x128xf32, #tpu.memory_space<vmem>> -> memref<1x1x32x128xf32, #tpu.memory_space<vmem>>
        %gather3A_1215 = tpu.memref_squeeze %gather3A_1214 : memref<1x1x32x128xf32, #tpu.memory_space<vmem>> -> memref<32x128xf32, #tpu.memory_space<vmem>>
        %gather3A_1216 = tpu.vector_load_idx %gather3A_1215[%add3A_5, %broadcast_in_dim3A_1197] : memref<32x128xf32, #tpu.memory_space<vmem>>[vector<16xi32>, vector<16xi32>], vector<16xf32>,
        %gather3A_1217 = arith.constant 1 : i32
        %gather3A_1218 = arith.constant 1 : i32
        %gather3A_1219 = arith.constant 0 : i32
        %gather3A_1220 = arith.constant 0 : i32
        %gather3A_1221 = tpu.memref_slice %arg10[%gather3A_1217, %gather3A_1218, %gather3A_1219, %gather3A_1220] : memref<2x4x32x128xf32, #tpu.memory_space<vmem>> -> memref<1x1x32x128xf32, #tpu.memory_space<vmem>>
        %gather3A_1222 = tpu.memref_squeeze %gather3A_1221 : memref<1x1x32x128xf32, #tpu.memory_space<vmem>> -> memref<32x128xf32, #tpu.memory_space<vmem>>
        %gather3A_1223 = tpu.vector_load_idx %gather3A_1222[%iota3A, %broadcast_in_dim3A_1202] : memref<32x128xf32, #tpu.memory_space<vmem>>[vector<16xi32>, vector<16xi32>], vector<16xf32>,
        %gather3A_1224 = arith.constant 1 : i32
        %gather3A_1225 = arith.constant 1 : i32
        %gather3A_1226 = arith.constant 0 : i32
        %gather3A_1227 = arith.constant 0 : i32
        %gather3A_1228 = tpu.memref_slice %arg10[%gather3A_1224, %gather3A_1225, %gather3A_1226, %gather3A_1227] : memref<2x4x32x128xf32, #tpu.memory_space<vmem>> -> memref<1x1x32x128xf32, #tpu.memory_space<vmem>>
        %gather3A_1229 = tpu.memref_squeeze %gather3A_1228 : memref<1x1x32x128xf32, #tpu.memory_space<vmem>> -> memref<32x128xf32, #tpu.memory_space<vmem>>
        %gather3A_1230 = tpu.vector_load_idx %gather3A_1229[%add3A_5, %broadcast_in_dim3A_1202] : memref<32x128xf32, #tpu.memory_space<vmem>>[vector<16xi32>, vector<16xi32>], vector<16xf32>,
        %mul3A_1231 = arith.mulf %gather3A_1209, %gather3A_1223 : vector<16xf32>
        %mul3A_1232 = arith.mulf %gather3A_1216, %gather3A_1230 : vector<16xf32>
        %add3A_1233 = arith.addf %mul3A_1231, %mul3A_1232 : vector<16xf32>
        %reduce_sum3A_1234 = arith.constant true
        %reduce_sum3A_1235 = vector.broadcast %reduce_sum3A_1234 : i1 to vector<16xi1>
        %reduce_sum3A_1236 = tpu.scan <sum>, %add3A_1233 masked %reduce_sum3A_1235 : vector<16xf32>, vector<16xi1> -> vector<16xf32>
        %reduce_sum3A_1237 = vector.extract %reduce_sum3A_1236[15] : f32 from vector<16xf32>
        %add3A_1238 = arith.constant 1 : i32
        %add3A_1239 = arith.addi %mul3A_1141, %add3A_1238 : i32
        %eq3A_1240 = vector.broadcast %add3A_1239 : i32 to vector<16xi32>
        %eq3A_1241 = arith.cmpi eq, %iota3A, %eq3A_1240 : vector<16xi32>
        %broadcast_in_dim3A_1242 = vector.broadcast %reduce_sum3A_1237 : f32 to vector<16xf32>
        %select_n3A_1243 = arith.select %eq3A_1241, %broadcast_in_dim3A_1242, %select_n3A_1192 : vector<16xi1>, vector<16xf32>
        %slice3A_1244 = vector.extract_strided_slice %scan3A_338 {offsets = [6], sizes = [1], strides = [1]} : vector<16xi32> to vector<1xi32>
        %squeeze3A_1245 = vector.extract %slice3A_1244[0] : i32 from vector<1xi32>
        %and3A_1246 = arith.constant 127 : i32
        %and3A_1247 = arith.andi %squeeze3A_1245, %and3A_1246 : i32
        %broadcast_in_dim3A_1248 = vector.broadcast %and3A_1247 : i32 to vector<16xi32>
        %slice3A_1249 = vector.extract_strided_slice %scan3A_339 {offsets = [6], sizes = [1], strides = [1]} : vector<16xi32> to vector<1xi32>
        %squeeze3A_1250 = vector.extract %slice3A_1249[0] : i32 from vector<1xi32>
        %and3A_1251 = arith.constant 127 : i32
        %and3A_1252 = arith.andi %squeeze3A_1250, %and3A_1251 : i32
        %broadcast_in_dim3A_1253 = vector.broadcast %and3A_1252 : i32 to vector<16xi32>
        %gather3A_1254 = arith.constant 1 : i32
        %gather3A_1255 = arith.constant 2 : i32
        %gather3A_1256 = arith.constant 0 : i32
        %gather3A_1257 = arith.constant 0 : i32
        %gather3A_1258 = tpu.memref_slice %arg9[%gather3A_1254, %gather3A_1255, %gather3A_1256, %gather3A_1257] : memref<2x4x32x128xf32, #tpu.memory_space<vmem>> -> memref<1x1x32x128xf32, #tpu.memory_space<vmem>>
        %gather3A_1259 = tpu.memref_squeeze %gather3A_1258 : memref<1x1x32x128xf32, #tpu.memory_space<vmem>> -> memref<32x128xf32, #tpu.memory_space<vmem>>
        %gather3A_1260 = tpu.vector_load_idx %gather3A_1259[%iota3A, %broadcast_in_dim3A_1248] : memref<32x128xf32, #tpu.memory_space<vmem>>[vector<16xi32>, vector<16xi32>], vector<16xf32>,
        %gather3A_1261 = arith.constant 1 : i32
        %gather3A_1262 = arith.constant 2 : i32
        %gather3A_1263 = arith.constant 0 : i32
        %gather3A_1264 = arith.constant 0 : i32
        %gather3A_1265 = tpu.memref_slice %arg9[%gather3A_1261, %gather3A_1262, %gather3A_1263, %gather3A_1264] : memref<2x4x32x128xf32, #tpu.memory_space<vmem>> -> memref<1x1x32x128xf32, #tpu.memory_space<vmem>>
        %gather3A_1266 = tpu.memref_squeeze %gather3A_1265 : memref<1x1x32x128xf32, #tpu.memory_space<vmem>> -> memref<32x128xf32, #tpu.memory_space<vmem>>
        %gather3A_1267 = tpu.vector_load_idx %gather3A_1266[%add3A_5, %broadcast_in_dim3A_1248] : memref<32x128xf32, #tpu.memory_space<vmem>>[vector<16xi32>, vector<16xi32>], vector<16xf32>,
        %gather3A_1268 = arith.constant 1 : i32
        %gather3A_1269 = arith.constant 2 : i32
        %gather3A_1270 = arith.constant 0 : i32
        %gather3A_1271 = arith.constant 0 : i32
        %gather3A_1272 = tpu.memref_slice %arg10[%gather3A_1268, %gather3A_1269, %gather3A_1270, %gather3A_1271] : memref<2x4x32x128xf32, #tpu.memory_space<vmem>> -> memref<1x1x32x128xf32, #tpu.memory_space<vmem>>
        %gather3A_1273 = tpu.memref_squeeze %gather3A_1272 : memref<1x1x32x128xf32, #tpu.memory_space<vmem>> -> memref<32x128xf32, #tpu.memory_space<vmem>>
        %gather3A_1274 = tpu.vector_load_idx %gather3A_1273[%iota3A, %broadcast_in_dim3A_1253] : memref<32x128xf32, #tpu.memory_space<vmem>>[vector<16xi32>, vector<16xi32>], vector<16xf32>,
        %gather3A_1275 = arith.constant 1 : i32
        %gather3A_1276 = arith.constant 2 : i32
        %gather3A_1277 = arith.constant 0 : i32
        %gather3A_1278 = arith.constant 0 : i32
        %gather3A_1279 = tpu.memref_slice %arg10[%gather3A_1275, %gather3A_1276, %gather3A_1277, %gather3A_1278] : memref<2x4x32x128xf32, #tpu.memory_space<vmem>> -> memref<1x1x32x128xf32, #tpu.memory_space<vmem>>
        %gather3A_1280 = tpu.memref_squeeze %gather3A_1279 : memref<1x1x32x128xf32, #tpu.memory_space<vmem>> -> memref<32x128xf32, #tpu.memory_space<vmem>>
        %gather3A_1281 = tpu.vector_load_idx %gather3A_1280[%add3A_5, %broadcast_in_dim3A_1253] : memref<32x128xf32, #tpu.memory_space<vmem>>[vector<16xi32>, vector<16xi32>], vector<16xf32>,
        %mul3A_1282 = arith.mulf %gather3A_1260, %gather3A_1274 : vector<16xf32>
        %mul3A_1283 = arith.mulf %gather3A_1267, %gather3A_1281 : vector<16xf32>
        %add3A_1284 = arith.addf %mul3A_1282, %mul3A_1283 : vector<16xf32>
        %reduce_sum3A_1285 = arith.constant true
        %reduce_sum3A_1286 = vector.broadcast %reduce_sum3A_1285 : i1 to vector<16xi1>
        %reduce_sum3A_1287 = tpu.scan <sum>, %add3A_1284 masked %reduce_sum3A_1286 : vector<16xf32>, vector<16xi1> -> vector<16xf32>
        %reduce_sum3A_1288 = vector.extract %reduce_sum3A_1287[15] : f32 from vector<16xf32>
        %add3A_1289 = arith.constant 2 : i32
        %add3A_1290 = arith.addi %mul3A_1141, %add3A_1289 : i32
        %eq3A_1291 = vector.broadcast %add3A_1290 : i32 to vector<16xi32>
        %eq3A_1292 = arith.cmpi eq, %iota3A, %eq3A_1291 : vector<16xi32>
        %broadcast_in_dim3A_1293 = vector.broadcast %reduce_sum3A_1288 : f32 to vector<16xf32>
        %select_n3A_1294 = arith.select %eq3A_1292, %broadcast_in_dim3A_1293, %select_n3A_1243 : vector<16xi1>, vector<16xf32>
        %slice3A_1295 = vector.extract_strided_slice %scan3A_338 {offsets = [7], sizes = [1], strides = [1]} : vector<16xi32> to vector<1xi32>
        %squeeze3A_1296 = vector.extract %slice3A_1295[0] : i32 from vector<1xi32>
        %and3A_1297 = arith.constant 127 : i32
        %and3A_1298 = arith.andi %squeeze3A_1296, %and3A_1297 : i32
        %broadcast_in_dim3A_1299 = vector.broadcast %and3A_1298 : i32 to vector<16xi32>
        %slice3A_1300 = vector.extract_strided_slice %scan3A_339 {offsets = [7], sizes = [1], strides = [1]} : vector<16xi32> to vector<1xi32>
        %squeeze3A_1301 = vector.extract %slice3A_1300[0] : i32 from vector<1xi32>
        %and3A_1302 = arith.constant 127 : i32
        %and3A_1303 = arith.andi %squeeze3A_1301, %and3A_1302 : i32
        %broadcast_in_dim3A_1304 = vector.broadcast %and3A_1303 : i32 to vector<16xi32>
        %gather3A_1305 = arith.constant 1 : i32
        %gather3A_1306 = arith.constant 3 : i32
        %gather3A_1307 = arith.constant 0 : i32
        %gather3A_1308 = arith.constant 0 : i32
        %gather3A_1309 = tpu.memref_slice %arg9[%gather3A_1305, %gather3A_1306, %gather3A_1307, %gather3A_1308] : memref<2x4x32x128xf32, #tpu.memory_space<vmem>> -> memref<1x1x32x128xf32, #tpu.memory_space<vmem>>
        %gather3A_1310 = tpu.memref_squeeze %gather3A_1309 : memref<1x1x32x128xf32, #tpu.memory_space<vmem>> -> memref<32x128xf32, #tpu.memory_space<vmem>>
        %gather3A_1311 = tpu.vector_load_idx %gather3A_1310[%iota3A, %broadcast_in_dim3A_1299] : memref<32x128xf32, #tpu.memory_space<vmem>>[vector<16xi32>, vector<16xi32>], vector<16xf32>,
        %gather3A_1312 = arith.constant 1 : i32
        %gather3A_1313 = arith.constant 3 : i32
        %gather3A_1314 = arith.constant 0 : i32
        %gather3A_1315 = arith.constant 0 : i32
        %gather3A_1316 = tpu.memref_slice %arg9[%gather3A_1312, %gather3A_1313, %gather3A_1314, %gather3A_1315] : memref<2x4x32x128xf32, #tpu.memory_space<vmem>> -> memref<1x1x32x128xf32, #tpu.memory_space<vmem>>
        %gather3A_1317 = tpu.memref_squeeze %gather3A_1316 : memref<1x1x32x128xf32, #tpu.memory_space<vmem>> -> memref<32x128xf32, #tpu.memory_space<vmem>>
        %gather3A_1318 = tpu.vector_load_idx %gather3A_1317[%add3A_5, %broadcast_in_dim3A_1299] : memref<32x128xf32, #tpu.memory_space<vmem>>[vector<16xi32>, vector<16xi32>], vector<16xf32>,
        %gather3A_1319 = arith.constant 1 : i32
        %gather3A_1320 = arith.constant 3 : i32
        %gather3A_1321 = arith.constant 0 : i32
        %gather3A_1322 = arith.constant 0 : i32
        %gather3A_1323 = tpu.memref_slice %arg10[%gather3A_1319, %gather3A_1320, %gather3A_1321, %gather3A_1322] : memref<2x4x32x128xf32, #tpu.memory_space<vmem>> -> memref<1x1x32x128xf32, #tpu.memory_space<vmem>>
        %gather3A_1324 = tpu.memref_squeeze %gather3A_1323 : memref<1x1x32x128xf32, #tpu.memory_space<vmem>> -> memref<32x128xf32, #tpu.memory_space<vmem>>
        %gather3A_1325 = tpu.vector_load_idx %gather3A_1324[%iota3A, %broadcast_in_dim3A_1304] : memref<32x128xf32, #tpu.memory_space<vmem>>[vector<16xi32>, vector<16xi32>], vector<16xf32>,
        %gather3A_1326 = arith.constant 1 : i32
        %gather3A_1327 = arith.constant 3 : i32
        %gather3A_1328 = arith.constant 0 : i32
        %gather3A_1329 = arith.constant 0 : i32
        %gather3A_1330 = tpu.memref_slice %arg10[%gather3A_1326, %gather3A_1327, %gather3A_1328, %gather3A_1329] : memref<2x4x32x128xf32, #tpu.memory_space<vmem>> -> memref<1x1x32x128xf32, #tpu.memory_space<vmem>>
        %gather3A_1331 = tpu.memref_squeeze %gather3A_1330 : memref<1x1x32x128xf32, #tpu.memory_space<vmem>> -> memref<32x128xf32, #tpu.memory_space<vmem>>
        %gather3A_1332 = tpu.vector_load_idx %gather3A_1331[%add3A_5, %broadcast_in_dim3A_1304] : memref<32x128xf32, #tpu.memory_space<vmem>>[vector<16xi32>, vector<16xi32>], vector<16xf32>,
        %mul3A_1333 = arith.mulf %gather3A_1311, %gather3A_1325 : vector<16xf32>
        %mul3A_1334 = arith.mulf %gather3A_1318, %gather3A_1332 : vector<16xf32>
        %add3A_1335 = arith.addf %mul3A_1333, %mul3A_1334 : vector<16xf32>
        %reduce_sum3A_1336 = arith.constant true
        %reduce_sum3A_1337 = vector.broadcast %reduce_sum3A_1336 : i1 to vector<16xi1>
        %reduce_sum3A_1338 = tpu.scan <sum>, %add3A_1335 masked %reduce_sum3A_1337 : vector<16xf32>, vector<16xi1> -> vector<16xf32>
        %reduce_sum3A_1339 = vector.extract %reduce_sum3A_1338[15] : f32 from vector<16xf32>
        %add3A_1340 = arith.constant 3 : i32
        %add3A_1341 = arith.addi %mul3A_1141, %add3A_1340 : i32
        %eq3A_1342 = vector.broadcast %add3A_1341 : i32 to vector<16xi32>
        %eq3A_1343 = arith.cmpi eq, %iota3A, %eq3A_1342 : vector<16xi32>
        %broadcast_in_dim3A_1344 = vector.broadcast %reduce_sum3A_1339 : f32 to vector<16xf32>
        %select_n3A_1345 = arith.select %eq3A_1343, %broadcast_in_dim3A_1344, %select_n3A_1294 : vector<16xi1>, vector<16xf32>
        %mul3A_1346 = arith.constant 2 : i32
        %mul3A_1347 = arith.muli %mul3A_1346, %scan3A_337 : i32
        %sub3A_1348 = arith.constant 1 : i32
        %sub3A_1349 = arith.subi %mul3A_1347, %sub3A_1348 : i32
        %and3A_1350 = arith.constant 3 : i32
        %and3A_1351 = arith.andi %sub3A_1349, %and3A_1350 : i32
        %eq3A_1352 = arith.constant 3 : i32
        %eq3A_1353 = arith.cmpi eq, %and3A_1351, %eq3A_1352 : i32
        %convert_element_type3A_1354 = arith.extui %eq3A_1353 : i1 to i32
        %cond3A_1355 = arith.constant 0 : i32
        %cond3A_1356 = arith.cmpi ne, %convert_element_type3A_1354, %cond3A_1355 : i32
        scf.if %cond3A_1356 {
          %shift_right_arithmetic3A = arith.constant 2 : i32
          %shift_right_arithmetic3A_1364 = arith.shrsi %sub3A_1349, %shift_right_arithmetic3A : i32
          %mul3A_1365 = arith.constant 16 : i32
          %mul3A_1366 = arith.muli %shift_right_arithmetic3A_1364, %mul3A_1365 : i32
          %swap3A_1367 = arith.index_cast %mul3A_1366 : i32 to index
          %swap3A_1368 = tpu.vector_load %arg11[%swap3A_1367] {strides = array<i32>} : memref<512xf32, #tpu.memory_space<vmem>>, vector<16xf32>,
          tpu.vector_store %arg11[%swap3A_1367], %select_n3A_1345 {strides = array<i32>} : memref<512xf32, #tpu.memory_space<vmem>>, vector<16xf32>,
        } else {
        }
        %and3A_1357 = arith.constant 3 : i32
        %and3A_1358 = arith.andi %sub3A_1349, %and3A_1357 : i32
        %eq3A_1359 = arith.constant 3 : i32
        %eq3A_1360 = arith.cmpi eq, %and3A_1358, %eq3A_1359 : i32
        %broadcast_in_dim3A_1361 = arith.constant 0.000000e+00 : f32
        %broadcast_in_dim3A_1362 = vector.broadcast %broadcast_in_dim3A_1361 : f32 to vector<16xf32>
        %select_n3A_1363 = arith.select %eq3A_1360, %broadcast_in_dim3A_1362, %select_n3A_1345 : vector<16xf32>
        scf.yield %select_n3A_1363 : vector<16xf32>
      } else {
        scf.yield %scan3A_340 : vector<16xf32>
      }
      %slice3A_508 = vector.extract_strided_slice %get3A_343 {offsets = [4], sizes = [1], strides = [1]} : vector<16xi32> to vector<1xi32>
      %squeeze3A_509 = vector.extract %slice3A_508[0] : i32 from vector<1xi32>
      %slice3A_510 = vector.extract_strided_slice %get3A_347 {offsets = [4], sizes = [1], strides = [1]} : vector<16xi32> to vector<1xi32>
      %squeeze3A_511 = vector.extract %slice3A_510[0] : i32 from vector<1xi32>
      %and3A_512 = arith.constant 127 : i32
      %and3A_513 = arith.andi %squeeze3A_509, %and3A_512 : i32
      %sub3A_514 = arith.subi %squeeze3A_509, %and3A_513 : i32
      %multiple_of3A_515 = tpu.assume_multiple %sub3A_514, 128 : i32
      %and3A_516 = arith.constant 127 : i32
      %and3A_517 = arith.andi %squeeze3A_511, %and3A_516 : i32
      %sub3A_518 = arith.subi %squeeze3A_511, %and3A_517 : i32
      %multiple_of3A_519 = tpu.assume_multiple %sub3A_518, 128 : i32
      %dma_start3A_520 = arith.constant 1 : i32
      %dma_start3A_521 = arith.constant 0 : i32
      %dma_start3A_522 = arith.constant 0 : i32
      %dma_start3A_523 = arith.constant 0 : i32
      %dma_start3A_524 = tpu.memref_slice %arg9[%dma_start3A_520, %dma_start3A_521, %dma_start3A_522, %dma_start3A_523] : memref<2x4x32x128xf32, #tpu.memory_space<vmem>> -> memref<1x1x32x128xf32, #tpu.memory_space<vmem>>
      %dma_start3A_525 = tpu.memref_squeeze %dma_start3A_524 : memref<1x1x32x128xf32, #tpu.memory_space<vmem>> -> memref<32x128xf32, #tpu.memory_space<vmem>>
      %dma_start3A_526 = arith.constant 0 : i32
      %dma_start3A_527 = tpu.memref_slice %arg4[%dma_start3A_526, %multiple_of3A_515] : memref<32x1000000xf32, #tpu.memory_space<hbm>> -> memref<32x128xf32, #tpu.memory_space<hbm>>
      %dma_start3A_528 = arith.constant 0 : i32
      %dma_start3A_529 = arith.constant 0 : i32
      %dma_start3A_530 = tpu.memref_slice %arg9[%dma_start3A_520, %dma_start3A_521, %dma_start3A_528, %dma_start3A_529] : memref<2x4x32x128xf32, #tpu.memory_space<vmem>> -> memref<1x1x32x128xf32, #tpu.memory_space<vmem>>
      %dma_start3A_531 = tpu.memref_squeeze %dma_start3A_530 : memref<1x1x32x128xf32, #tpu.memory_space<vmem>> -> memref<32x128xf32, #tpu.memory_space<vmem>>
      %dma_start3A_532 = arith.constant 0 : i32
      %dma_start3A_533 = tpu.memref_slice %arg4[%dma_start3A_532, %multiple_of3A_515] : memref<32x1000000xf32, #tpu.memory_space<hbm>> -> memref<32x128xf32, #tpu.memory_space<hbm>>
      tpu.enqueue_dma source(%dma_start3A_533 : memref<32x128xf32, #tpu.memory_space<hbm>>) target(%dma_start3A_531 : memref<32x128xf32, #tpu.memory_space<vmem>>) target_semaphore(%arg13 : memref<!tpu.dma_semaphore, #tpu.memory_space<semaphore_mem>>)
      %dma_start3A_534 = arith.constant 1 : i32
      %dma_start3A_535 = arith.constant 0 : i32
      %dma_start3A_536 = arith.constant 0 : i32
      %dma_start3A_537 = arith.constant 0 : i32
      %dma_start3A_538 = tpu.memref_slice %arg10[%dma_start3A_534, %dma_start3A_535, %dma_start3A_536, %dma_start3A_537] : memref<2x4x32x128xf32, #tpu.memory_space<vmem>> -> memref<1x1x32x128xf32, #tpu.memory_space<vmem>>
      %dma_start3A_539 = tpu.memref_squeeze %dma_start3A_538 : memref<1x1x32x128xf32, #tpu.memory_space<vmem>> -> memref<32x128xf32, #tpu.memory_space<vmem>>
      %dma_start3A_540 = arith.constant 0 : i32
      %dma_start3A_541 = tpu.memref_slice %arg5[%dma_start3A_540, %multiple_of3A_519] : memref<32x1000000xf32, #tpu.memory_space<hbm>> -> memref<32x128xf32, #tpu.memory_space<hbm>>
      %dma_start3A_542 = arith.constant 0 : i32
      %dma_start3A_543 = arith.constant 0 : i32
      %dma_start3A_544 = tpu.memref_slice %arg10[%dma_start3A_534, %dma_start3A_535, %dma_start3A_542, %dma_start3A_543] : memref<2x4x32x128xf32, #tpu.memory_space<vmem>> -> memref<1x1x32x128xf32, #tpu.memory_space<vmem>>
      %dma_start3A_545 = tpu.memref_squeeze %dma_start3A_544 : memref<1x1x32x128xf32, #tpu.memory_space<vmem>> -> memref<32x128xf32, #tpu.memory_space<vmem>>
      %dma_start3A_546 = arith.constant 0 : i32
      %dma_start3A_547 = tpu.memref_slice %arg5[%dma_start3A_546, %multiple_of3A_519] : memref<32x1000000xf32, #tpu.memory_space<hbm>> -> memref<32x128xf32, #tpu.memory_space<hbm>>
      tpu.enqueue_dma source(%dma_start3A_547 : memref<32x128xf32, #tpu.memory_space<hbm>>) target(%dma_start3A_545 : memref<32x128xf32, #tpu.memory_space<vmem>>) target_semaphore(%arg13 : memref<!tpu.dma_semaphore, #tpu.memory_space<semaphore_mem>>)
      %slice3A_548 = vector.extract_strided_slice %get3A_343 {offsets = [5], sizes = [1], strides = [1]} : vector<16xi32> to vector<1xi32>
      %squeeze3A_549 = vector.extract %slice3A_548[0] : i32 from vector<1xi32>
      %slice3A_550 = vector.extract_strided_slice %get3A_347 {offsets = [5], sizes = [1], strides = [1]} : vector<16xi32> to vector<1xi32>
      %squeeze3A_551 = vector.extract %slice3A_550[0] : i32 from vector<1xi32>
      %and3A_552 = arith.constant 127 : i32
      %and3A_553 = arith.andi %squeeze3A_549, %and3A_552 : i32
      %sub3A_554 = arith.subi %squeeze3A_549, %and3A_553 : i32
      %multiple_of3A_555 = tpu.assume_multiple %sub3A_554, 128 : i32
      %and3A_556 = arith.constant 127 : i32
      %and3A_557 = arith.andi %squeeze3A_551, %and3A_556 : i32
      %sub3A_558 = arith.subi %squeeze3A_551, %and3A_557 : i32
      %multiple_of3A_559 = tpu.assume_multiple %sub3A_558, 128 : i32
      %dma_start3A_560 = arith.constant 1 : i32
      %dma_start3A_561 = arith.constant 1 : i32
      %dma_start3A_562 = arith.constant 0 : i32
      %dma_start3A_563 = arith.constant 0 : i32
      %dma_start3A_564 = tpu.memref_slice %arg9[%dma_start3A_560, %dma_start3A_561, %dma_start3A_562, %dma_start3A_563] : memref<2x4x32x128xf32, #tpu.memory_space<vmem>> -> memref<1x1x32x128xf32, #tpu.memory_space<vmem>>
      %dma_start3A_565 = tpu.memref_squeeze %dma_start3A_564 : memref<1x1x32x128xf32, #tpu.memory_space<vmem>> -> memref<32x128xf32, #tpu.memory_space<vmem>>
      %dma_start3A_566 = arith.constant 0 : i32
      %dma_start3A_567 = tpu.memref_slice %arg4[%dma_start3A_566, %multiple_of3A_555] : memref<32x1000000xf32, #tpu.memory_space<hbm>> -> memref<32x128xf32, #tpu.memory_space<hbm>>
      %dma_start3A_568 = arith.constant 0 : i32
      %dma_start3A_569 = arith.constant 0 : i32
      %dma_start3A_570 = tpu.memref_slice %arg9[%dma_start3A_560, %dma_start3A_561, %dma_start3A_568, %dma_start3A_569] : memref<2x4x32x128xf32, #tpu.memory_space<vmem>> -> memref<1x1x32x128xf32, #tpu.memory_space<vmem>>
      %dma_start3A_571 = tpu.memref_squeeze %dma_start3A_570 : memref<1x1x32x128xf32, #tpu.memory_space<vmem>> -> memref<32x128xf32, #tpu.memory_space<vmem>>
      %dma_start3A_572 = arith.constant 0 : i32
      %dma_start3A_573 = tpu.memref_slice %arg4[%dma_start3A_572, %multiple_of3A_555] : memref<32x1000000xf32, #tpu.memory_space<hbm>> -> memref<32x128xf32, #tpu.memory_space<hbm>>
      tpu.enqueue_dma source(%dma_start3A_573 : memref<32x128xf32, #tpu.memory_space<hbm>>) target(%dma_start3A_571 : memref<32x128xf32, #tpu.memory_space<vmem>>) target_semaphore(%arg13 : memref<!tpu.dma_semaphore, #tpu.memory_space<semaphore_mem>>)
      %dma_start3A_574 = arith.constant 1 : i32
      %dma_start3A_575 = arith.constant 1 : i32
      %dma_start3A_576 = arith.constant 0 : i32
      %dma_start3A_577 = arith.constant 0 : i32
      %dma_start3A_578 = tpu.memref_slice %arg10[%dma_start3A_574, %dma_start3A_575, %dma_start3A_576, %dma_start3A_577] : memref<2x4x32x128xf32, #tpu.memory_space<vmem>> -> memref<1x1x32x128xf32, #tpu.memory_space<vmem>>
      %dma_start3A_579 = tpu.memref_squeeze %dma_start3A_578 : memref<1x1x32x128xf32, #tpu.memory_space<vmem>> -> memref<32x128xf32, #tpu.memory_space<vmem>>
      %dma_start3A_580 = arith.constant 0 : i32
      %dma_start3A_581 = tpu.memref_slice %arg5[%dma_start3A_580, %multiple_of3A_559] : memref<32x1000000xf32, #tpu.memory_space<hbm>> -> memref<32x128xf32, #tpu.memory_space<hbm>>
      %dma_start3A_582 = arith.constant 0 : i32
      %dma_start3A_583 = arith.constant 0 : i32
      %dma_start3A_584 = tpu.memref_slice %arg10[%dma_start3A_574, %dma_start3A_575, %dma_start3A_582, %dma_start3A_583] : memref<2x4x32x128xf32, #tpu.memory_space<vmem>> -> memref<1x1x32x128xf32, #tpu.memory_space<vmem>>
      %dma_start3A_585 = tpu.memref_squeeze %dma_start3A_584 : memref<1x1x32x128xf32, #tpu.memory_space<vmem>> -> memref<32x128xf32, #tpu.memory_space<vmem>>
      %dma_start3A_586 = arith.constant 0 : i32
      %dma_start3A_587 = tpu.memref_slice %arg5[%dma_start3A_586, %multiple_of3A_559] : memref<32x1000000xf32, #tpu.memory_space<hbm>> -> memref<32x128xf32, #tpu.memory_space<hbm>>
      tpu.enqueue_dma source(%dma_start3A_587 : memref<32x128xf32, #tpu.memory_space<hbm>>) target(%dma_start3A_585 : memref<32x128xf32, #tpu.memory_space<vmem>>) target_semaphore(%arg13 : memref<!tpu.dma_semaphore, #tpu.memory_space<semaphore_mem>>)
      %slice3A_588 = vector.extract_strided_slice %get3A_343 {offsets = [6], sizes = [1], strides = [1]} : vector<16xi32> to vector<1xi32>
      %squeeze3A_589 = vector.extract %slice3A_588[0] : i32 from vector<1xi32>
      %slice3A_590 = vector.extract_strided_slice %get3A_347 {offsets = [6], sizes = [1], strides = [1]} : vector<16xi32> to vector<1xi32>
      %squeeze3A_591 = vector.extract %slice3A_590[0] : i32 from vector<1xi32>
      %and3A_592 = arith.constant 127 : i32
      %and3A_593 = arith.andi %squeeze3A_589, %and3A_592 : i32
      %sub3A_594 = arith.subi %squeeze3A_589, %and3A_593 : i32
      %multiple_of3A_595 = tpu.assume_multiple %sub3A_594, 128 : i32
      %and3A_596 = arith.constant 127 : i32
      %and3A_597 = arith.andi %squeeze3A_591, %and3A_596 : i32
      %sub3A_598 = arith.subi %squeeze3A_591, %and3A_597 : i32
      %multiple_of3A_599 = tpu.assume_multiple %sub3A_598, 128 : i32
      %dma_start3A_600 = arith.constant 1 : i32
      %dma_start3A_601 = arith.constant 2 : i32
      %dma_start3A_602 = arith.constant 0 : i32
      %dma_start3A_603 = arith.constant 0 : i32
      %dma_start3A_604 = tpu.memref_slice %arg9[%dma_start3A_600, %dma_start3A_601, %dma_start3A_602, %dma_start3A_603] : memref<2x4x32x128xf32, #tpu.memory_space<vmem>> -> memref<1x1x32x128xf32, #tpu.memory_space<vmem>>
      %dma_start3A_605 = tpu.memref_squeeze %dma_start3A_604 : memref<1x1x32x128xf32, #tpu.memory_space<vmem>> -> memref<32x128xf32, #tpu.memory_space<vmem>>
      %dma_start3A_606 = arith.constant 0 : i32
      %dma_start3A_607 = tpu.memref_slice %arg4[%dma_start3A_606, %multiple_of3A_595] : memref<32x1000000xf32, #tpu.memory_space<hbm>> -> memref<32x128xf32, #tpu.memory_space<hbm>>
      %dma_start3A_608 = arith.constant 0 : i32
      %dma_start3A_609 = arith.constant 0 : i32
      %dma_start3A_610 = tpu.memref_slice %arg9[%dma_start3A_600, %dma_start3A_601, %dma_start3A_608, %dma_start3A_609] : memref<2x4x32x128xf32, #tpu.memory_space<vmem>> -> memref<1x1x32x128xf32, #tpu.memory_space<vmem>>
      %dma_start3A_611 = tpu.memref_squeeze %dma_start3A_610 : memref<1x1x32x128xf32, #tpu.memory_space<vmem>> -> memref<32x128xf32, #tpu.memory_space<vmem>>
      %dma_start3A_612 = arith.constant 0 : i32
      %dma_start3A_613 = tpu.memref_slice %arg4[%dma_start3A_612, %multiple_of3A_595] : memref<32x1000000xf32, #tpu.memory_space<hbm>> -> memref<32x128xf32, #tpu.memory_space<hbm>>
      tpu.enqueue_dma source(%dma_start3A_613 : memref<32x128xf32, #tpu.memory_space<hbm>>) target(%dma_start3A_611 : memref<32x128xf32, #tpu.memory_space<vmem>>) target_semaphore(%arg13 : memref<!tpu.dma_semaphore, #tpu.memory_space<semaphore_mem>>)
      %dma_start3A_614 = arith.constant 1 : i32
      %dma_start3A_615 = arith.constant 2 : i32
      %dma_start3A_616 = arith.constant 0 : i32
      %dma_start3A_617 = arith.constant 0 : i32
      %dma_start3A_618 = tpu.memref_slice %arg10[%dma_start3A_614, %dma_start3A_615, %dma_start3A_616, %dma_start3A_617] : memref<2x4x32x128xf32, #tpu.memory_space<vmem>> -> memref<1x1x32x128xf32, #tpu.memory_space<vmem>>
      %dma_start3A_619 = tpu.memref_squeeze %dma_start3A_618 : memref<1x1x32x128xf32, #tpu.memory_space<vmem>> -> memref<32x128xf32, #tpu.memory_space<vmem>>
      %dma_start3A_620 = arith.constant 0 : i32
      %dma_start3A_621 = tpu.memref_slice %arg5[%dma_start3A_620, %multiple_of3A_599] : memref<32x1000000xf32, #tpu.memory_space<hbm>> -> memref<32x128xf32, #tpu.memory_space<hbm>>
      %dma_start3A_622 = arith.constant 0 : i32
      %dma_start3A_623 = arith.constant 0 : i32
      %dma_start3A_624 = tpu.memref_slice %arg10[%dma_start3A_614, %dma_start3A_615, %dma_start3A_622, %dma_start3A_623] : memref<2x4x32x128xf32, #tpu.memory_space<vmem>> -> memref<1x1x32x128xf32, #tpu.memory_space<vmem>>
      %dma_start3A_625 = tpu.memref_squeeze %dma_start3A_624 : memref<1x1x32x128xf32, #tpu.memory_space<vmem>> -> memref<32x128xf32, #tpu.memory_space<vmem>>
      %dma_start3A_626 = arith.constant 0 : i32
      %dma_start3A_627 = tpu.memref_slice %arg5[%dma_start3A_626, %multiple_of3A_599] : memref<32x1000000xf32, #tpu.memory_space<hbm>> -> memref<32x128xf32, #tpu.memory_space<hbm>>
      tpu.enqueue_dma source(%dma_start3A_627 : memref<32x128xf32, #tpu.memory_space<hbm>>) target(%dma_start3A_625 : memref<32x128xf32, #tpu.memory_space<vmem>>) target_semaphore(%arg13 : memref<!tpu.dma_semaphore, #tpu.memory_space<semaphore_mem>>)
      %slice3A_628 = vector.extract_strided_slice %get3A_343 {offsets = [7], sizes = [1], strides = [1]} : vector<16xi32> to vector<1xi32>
      %squeeze3A_629 = vector.extract %slice3A_628[0] : i32 from vector<1xi32>
      %slice3A_630 = vector.extract_strided_slice %get3A_347 {offsets = [7], sizes = [1], strides = [1]} : vector<16xi32> to vector<1xi32>
      %squeeze3A_631 = vector.extract %slice3A_630[0] : i32 from vector<1xi32>
      %and3A_632 = arith.constant 127 : i32
      %and3A_633 = arith.andi %squeeze3A_629, %and3A_632 : i32
      %sub3A_634 = arith.subi %squeeze3A_629, %and3A_633 : i32
      %multiple_of3A_635 = tpu.assume_multiple %sub3A_634, 128 : i32
      %and3A_636 = arith.constant 127 : i32
      %and3A_637 = arith.andi %squeeze3A_631, %and3A_636 : i32
      %sub3A_638 = arith.subi %squeeze3A_631, %and3A_637 : i32
      %multiple_of3A_639 = tpu.assume_multiple %sub3A_638, 128 : i32
      %dma_start3A_640 = arith.constant 1 : i32
      %dma_start3A_641 = arith.constant 3 : i32
      %dma_start3A_642 = arith.constant 0 : i32
      %dma_start3A_643 = arith.constant 0 : i32
      %dma_start3A_644 = tpu.memref_slice %arg9[%dma_start3A_640, %dma_start3A_641, %dma_start3A_642, %dma_start3A_643] : memref<2x4x32x128xf32, #tpu.memory_space<vmem>> -> memref<1x1x32x128xf32, #tpu.memory_space<vmem>>
      %dma_start3A_645 = tpu.memref_squeeze %dma_start3A_644 : memref<1x1x32x128xf32, #tpu.memory_space<vmem>> -> memref<32x128xf32, #tpu.memory_space<vmem>>
      %dma_start3A_646 = arith.constant 0 : i32
      %dma_start3A_647 = tpu.memref_slice %arg4[%dma_start3A_646, %multiple_of3A_635] : memref<32x1000000xf32, #tpu.memory_space<hbm>> -> memref<32x128xf32, #tpu.memory_space<hbm>>
      %dma_start3A_648 = arith.constant 0 : i32
      %dma_start3A_649 = arith.constant 0 : i32
      %dma_start3A_650 = tpu.memref_slice %arg9[%dma_start3A_640, %dma_start3A_641, %dma_start3A_648, %dma_start3A_649] : memref<2x4x32x128xf32, #tpu.memory_space<vmem>> -> memref<1x1x32x128xf32, #tpu.memory_space<vmem>>
      %dma_start3A_651 = tpu.memref_squeeze %dma_start3A_650 : memref<1x1x32x128xf32, #tpu.memory_space<vmem>> -> memref<32x128xf32, #tpu.memory_space<vmem>>
      %dma_start3A_652 = arith.constant 0 : i32
      %dma_start3A_653 = tpu.memref_slice %arg4[%dma_start3A_652, %multiple_of3A_635] : memref<32x1000000xf32, #tpu.memory_space<hbm>> -> memref<32x128xf32, #tpu.memory_space<hbm>>
      tpu.enqueue_dma source(%dma_start3A_653 : memref<32x128xf32, #tpu.memory_space<hbm>>) target(%dma_start3A_651 : memref<32x128xf32, #tpu.memory_space<vmem>>) target_semaphore(%arg13 : memref<!tpu.dma_semaphore, #tpu.memory_space<semaphore_mem>>)
      %dma_start3A_654 = arith.constant 1 : i32
      %dma_start3A_655 = arith.constant 3 : i32
      %dma_start3A_656 = arith.constant 0 : i32
      %dma_start3A_657 = arith.constant 0 : i32
      %dma_start3A_658 = tpu.memref_slice %arg10[%dma_start3A_654, %dma_start3A_655, %dma_start3A_656, %dma_start3A_657] : memref<2x4x32x128xf32, #tpu.memory_space<vmem>> -> memref<1x1x32x128xf32, #tpu.memory_space<vmem>>
      %dma_start3A_659 = tpu.memref_squeeze %dma_start3A_658 : memref<1x1x32x128xf32, #tpu.memory_space<vmem>> -> memref<32x128xf32, #tpu.memory_space<vmem>>
      %dma_start3A_660 = arith.constant 0 : i32
      %dma_start3A_661 = tpu.memref_slice %arg5[%dma_start3A_660, %multiple_of3A_639] : memref<32x1000000xf32, #tpu.memory_space<hbm>> -> memref<32x128xf32, #tpu.memory_space<hbm>>
      %dma_start3A_662 = arith.constant 0 : i32
      %dma_start3A_663 = arith.constant 0 : i32
      %dma_start3A_664 = tpu.memref_slice %arg10[%dma_start3A_654, %dma_start3A_655, %dma_start3A_662, %dma_start3A_663] : memref<2x4x32x128xf32, #tpu.memory_space<vmem>> -> memref<1x1x32x128xf32, #tpu.memory_space<vmem>>
      %dma_start3A_665 = tpu.memref_squeeze %dma_start3A_664 : memref<1x1x32x128xf32, #tpu.memory_space<vmem>> -> memref<32x128xf32, #tpu.memory_space<vmem>>
      %dma_start3A_666 = arith.constant 0 : i32
      %dma_start3A_667 = tpu.memref_slice %arg5[%dma_start3A_666, %multiple_of3A_639] : memref<32x1000000xf32, #tpu.memory_space<hbm>> -> memref<32x128xf32, #tpu.memory_space<hbm>>
      tpu.enqueue_dma source(%dma_start3A_667 : memref<32x128xf32, #tpu.memory_space<hbm>>) target(%dma_start3A_665 : memref<32x128xf32, #tpu.memory_space<vmem>>) target_semaphore(%arg13 : memref<!tpu.dma_semaphore, #tpu.memory_space<semaphore_mem>>)
      %dma_wait3A_668 = arith.constant 0 : i32
      %dma_wait3A_669 = arith.constant 0 : i32
      %dma_wait3A_670 = arith.constant 0 : i32
      %dma_wait3A_671 = arith.constant 0 : i32
      %dma_wait3A_672 = tpu.memref_slice %arg9[%dma_wait3A_668, %dma_wait3A_669, %dma_wait3A_670, %dma_wait3A_671] : memref<2x4x32x128xf32, #tpu.memory_space<vmem>> -> memref<1x1x32x128xf32, #tpu.memory_space<vmem>>
      %dma_wait3A_673 = tpu.memref_squeeze %dma_wait3A_672 : memref<1x1x32x128xf32, #tpu.memory_space<vmem>> -> memref<32x128xf32, #tpu.memory_space<vmem>>
      %dma_wait3A_674 = arith.constant 0 : i32
      %dma_wait3A_675 = tpu.memref_slice %arg4[%dma_wait3A_674, %multiple_of3A] : memref<32x1000000xf32, #tpu.memory_space<hbm>> -> memref<32x128xf32, #tpu.memory_space<hbm>>
      %dma_wait3A_676 = arith.constant 0 : i32
      %dma_wait3A_677 = arith.constant 0 : i32
      %dma_wait3A_678 = tpu.memref_slice %arg9[%dma_wait3A_668, %dma_wait3A_669, %dma_wait3A_676, %dma_wait3A_677] : memref<2x4x32x128xf32, #tpu.memory_space<vmem>> -> memref<1x1x32x128xf32, #tpu.memory_space<vmem>>
      %dma_wait3A_679 = tpu.memref_squeeze %dma_wait3A_678 : memref<1x1x32x128xf32, #tpu.memory_space<vmem>> -> memref<32x128xf32, #tpu.memory_space<vmem>>
      %dma_wait3A_680 = arith.constant 0 : i32
      %dma_wait3A_681 = tpu.memref_slice %arg4[%dma_wait3A_680, %multiple_of3A] : memref<32x1000000xf32, #tpu.memory_space<hbm>> -> memref<32x128xf32, #tpu.memory_space<hbm>>
      tpu.wait_dma2 semaphore(%arg12 : memref<!tpu.dma_semaphore, #tpu.memory_space<semaphore_mem>>) src(%dma_wait3A_681 : memref<32x128xf32, #tpu.memory_space<hbm>>) dst(%dma_wait3A_679 : memref<32x128xf32, #tpu.memory_space<vmem>>)
      %dma_wait3A_682 = arith.constant 0 : i32
      %dma_wait3A_683 = arith.constant 0 : i32
      %dma_wait3A_684 = arith.constant 0 : i32
      %dma_wait3A_685 = arith.constant 0 : i32
      %dma_wait3A_686 = tpu.memref_slice %arg10[%dma_wait3A_682, %dma_wait3A_683, %dma_wait3A_684, %dma_wait3A_685] : memref<2x4x32x128xf32, #tpu.memory_space<vmem>> -> memref<1x1x32x128xf32, #tpu.memory_space<vmem>>
      %dma_wait3A_687 = tpu.memref_squeeze %dma_wait3A_686 : memref<1x1x32x128xf32, #tpu.memory_space<vmem>> -> memref<32x128xf32, #tpu.memory_space<vmem>>
      %dma_wait3A_688 = arith.constant 0 : i32
      %dma_wait3A_689 = tpu.memref_slice %arg5[%dma_wait3A_688, %multiple_of3A_357] : memref<32x1000000xf32, #tpu.memory_space<hbm>> -> memref<32x128xf32, #tpu.memory_space<hbm>>
      %dma_wait3A_690 = arith.constant 0 : i32
      %dma_wait3A_691 = arith.constant 0 : i32
      %dma_wait3A_692 = tpu.memref_slice %arg10[%dma_wait3A_682, %dma_wait3A_683, %dma_wait3A_690, %dma_wait3A_691] : memref<2x4x32x128xf32, #tpu.memory_space<vmem>> -> memref<1x1x32x128xf32, #tpu.memory_space<vmem>>
      %dma_wait3A_693 = tpu.memref_squeeze %dma_wait3A_692 : memref<1x1x32x128xf32, #tpu.memory_space<vmem>> -> memref<32x128xf32, #tpu.memory_space<vmem>>
      %dma_wait3A_694 = arith.constant 0 : i32
      %dma_wait3A_695 = tpu.memref_slice %arg5[%dma_wait3A_694, %multiple_of3A_357] : memref<32x1000000xf32, #tpu.memory_space<hbm>> -> memref<32x128xf32, #tpu.memory_space<hbm>>
      tpu.wait_dma2 semaphore(%arg12 : memref<!tpu.dma_semaphore, #tpu.memory_space<semaphore_mem>>) src(%dma_wait3A_695 : memref<32x128xf32, #tpu.memory_space<hbm>>) dst(%dma_wait3A_693 : memref<32x128xf32, #tpu.memory_space<vmem>>)
      %dma_wait3A_696 = arith.constant 0 : i32
      %dma_wait3A_697 = arith.constant 1 : i32
      %dma_wait3A_698 = arith.constant 0 : i32
      %dma_wait3A_699 = arith.constant 0 : i32
      %dma_wait3A_700 = tpu.memref_slice %arg9[%dma_wait3A_696, %dma_wait3A_697, %dma_wait3A_698, %dma_wait3A_699] : memref<2x4x32x128xf32, #tpu.memory_space<vmem>> -> memref<1x1x32x128xf32, #tpu.memory_space<vmem>>
      %dma_wait3A_701 = tpu.memref_squeeze %dma_wait3A_700 : memref<1x1x32x128xf32, #tpu.memory_space<vmem>> -> memref<32x128xf32, #tpu.memory_space<vmem>>
      %dma_wait3A_702 = arith.constant 0 : i32
      %dma_wait3A_703 = tpu.memref_slice %arg4[%dma_wait3A_702, %multiple_of3A_392] : memref<32x1000000xf32, #tpu.memory_space<hbm>> -> memref<32x128xf32, #tpu.memory_space<hbm>>
      %dma_wait3A_704 = arith.constant 0 : i32
      %dma_wait3A_705 = arith.constant 0 : i32
      %dma_wait3A_706 = tpu.memref_slice %arg9[%dma_wait3A_696, %dma_wait3A_697, %dma_wait3A_704, %dma_wait3A_705] : memref<2x4x32x128xf32, #tpu.memory_space<vmem>> -> memref<1x1x32x128xf32, #tpu.memory_space<vmem>>
      %dma_wait3A_707 = tpu.memref_squeeze %dma_wait3A_706 : memref<1x1x32x128xf32, #tpu.memory_space<vmem>> -> memref<32x128xf32, #tpu.memory_space<vmem>>
      %dma_wait3A_708 = arith.constant 0 : i32
      %dma_wait3A_709 = tpu.memref_slice %arg4[%dma_wait3A_708, %multiple_of3A_392] : memref<32x1000000xf32, #tpu.memory_space<hbm>> -> memref<32x128xf32, #tpu.memory_space<hbm>>
      tpu.wait_dma2 semaphore(%arg12 : memref<!tpu.dma_semaphore, #tpu.memory_space<semaphore_mem>>) src(%dma_wait3A_709 : memref<32x128xf32, #tpu.memory_space<hbm>>) dst(%dma_wait3A_707 : memref<32x128xf32, #tpu.memory_space<vmem>>)
      %dma_wait3A_710 = arith.constant 0 : i32
      %dma_wait3A_711 = arith.constant 1 : i32
      %dma_wait3A_712 = arith.constant 0 : i32
      %dma_wait3A_713 = arith.constant 0 : i32
      %dma_wait3A_714 = tpu.memref_slice %arg10[%dma_wait3A_710, %dma_wait3A_711, %dma_wait3A_712, %dma_wait3A_713] : memref<2x4x32x128xf32, #tpu.memory_space<vmem>> -> memref<1x1x32x128xf32, #tpu.memory_space<vmem>>
      %dma_wait3A_715 = tpu.memref_squeeze %dma_wait3A_714 : memref<1x1x32x128xf32, #tpu.memory_space<vmem>> -> memref<32x128xf32, #tpu.memory_space<vmem>>
      %dma_wait3A_716 = arith.constant 0 : i32
      %dma_wait3A_717 = tpu.memref_slice %arg5[%dma_wait3A_716, %multiple_of3A_396] : memref<32x1000000xf32, #tpu.memory_space<hbm>> -> memref<32x128xf32, #tpu.memory_space<hbm>>
      %dma_wait3A_718 = arith.constant 0 : i32
      %dma_wait3A_719 = arith.constant 0 : i32
      %dma_wait3A_720 = tpu.memref_slice %arg10[%dma_wait3A_710, %dma_wait3A_711, %dma_wait3A_718, %dma_wait3A_719] : memref<2x4x32x128xf32, #tpu.memory_space<vmem>> -> memref<1x1x32x128xf32, #tpu.memory_space<vmem>>
      %dma_wait3A_721 = tpu.memref_squeeze %dma_wait3A_720 : memref<1x1x32x128xf32, #tpu.memory_space<vmem>> -> memref<32x128xf32, #tpu.memory_space<vmem>>
      %dma_wait3A_722 = arith.constant 0 : i32
      %dma_wait3A_723 = tpu.memref_slice %arg5[%dma_wait3A_722, %multiple_of3A_396] : memref<32x1000000xf32, #tpu.memory_space<hbm>> -> memref<32x128xf32, #tpu.memory_space<hbm>>
      tpu.wait_dma2 semaphore(%arg12 : memref<!tpu.dma_semaphore, #tpu.memory_space<semaphore_mem>>) src(%dma_wait3A_723 : memref<32x128xf32, #tpu.memory_space<hbm>>) dst(%dma_wait3A_721 : memref<32x128xf32, #tpu.memory_space<vmem>>)
      %dma_wait3A_724 = arith.constant 0 : i32
      %dma_wait3A_725 = arith.constant 2 : i32
      %dma_wait3A_726 = arith.constant 0 : i32
      %dma_wait3A_727 = arith.constant 0 : i32
      %dma_wait3A_728 = tpu.memref_slice %arg9[%dma_wait3A_724, %dma_wait3A_725, %dma_wait3A_726, %dma_wait3A_727] : memref<2x4x32x128xf32, #tpu.memory_space<vmem>> -> memref<1x1x32x128xf32, #tpu.memory_space<vmem>>
      %dma_wait3A_729 = tpu.memref_squeeze %dma_wait3A_728 : memref<1x1x32x128xf32, #tpu.memory_space<vmem>> -> memref<32x128xf32, #tpu.memory_space<vmem>>
      %dma_wait3A_730 = arith.constant 0 : i32
      %dma_wait3A_731 = tpu.memref_slice %arg4[%dma_wait3A_730, %multiple_of3A_432] : memref<32x1000000xf32, #tpu.memory_space<hbm>> -> memref<32x128xf32, #tpu.memory_space<hbm>>
      %dma_wait3A_732 = arith.constant 0 : i32
      %dma_wait3A_733 = arith.constant 0 : i32
      %dma_wait3A_734 = tpu.memref_slice %arg9[%dma_wait3A_724, %dma_wait3A_725, %dma_wait3A_732, %dma_wait3A_733] : memref<2x4x32x128xf32, #tpu.memory_space<vmem>> -> memref<1x1x32x128xf32, #tpu.memory_space<vmem>>
      %dma_wait3A_735 = tpu.memref_squeeze %dma_wait3A_734 : memref<1x1x32x128xf32, #tpu.memory_space<vmem>> -> memref<32x128xf32, #tpu.memory_space<vmem>>
      %dma_wait3A_736 = arith.constant 0 : i32
      %dma_wait3A_737 = tpu.memref_slice %arg4[%dma_wait3A_736, %multiple_of3A_432] : memref<32x1000000xf32, #tpu.memory_space<hbm>> -> memref<32x128xf32, #tpu.memory_space<hbm>>
      tpu.wait_dma2 semaphore(%arg12 : memref<!tpu.dma_semaphore, #tpu.memory_space<semaphore_mem>>) src(%dma_wait3A_737 : memref<32x128xf32, #tpu.memory_space<hbm>>) dst(%dma_wait3A_735 : memref<32x128xf32, #tpu.memory_space<vmem>>)
      %dma_wait3A_738 = arith.constant 0 : i32
      %dma_wait3A_739 = arith.constant 2 : i32
      %dma_wait3A_740 = arith.constant 0 : i32
      %dma_wait3A_741 = arith.constant 0 : i32
      %dma_wait3A_742 = tpu.memref_slice %arg10[%dma_wait3A_738, %dma_wait3A_739, %dma_wait3A_740, %dma_wait3A_741] : memref<2x4x32x128xf32, #tpu.memory_space<vmem>> -> memref<1x1x32x128xf32, #tpu.memory_space<vmem>>
      %dma_wait3A_743 = tpu.memref_squeeze %dma_wait3A_742 : memref<1x1x32x128xf32, #tpu.memory_space<vmem>> -> memref<32x128xf32, #tpu.memory_space<vmem>>
      %dma_wait3A_744 = arith.constant 0 : i32
      %dma_wait3A_745 = tpu.memref_slice %arg5[%dma_wait3A_744, %multiple_of3A_436] : memref<32x1000000xf32, #tpu.memory_space<hbm>> -> memref<32x128xf32, #tpu.memory_space<hbm>>
      %dma_wait3A_746 = arith.constant 0 : i32
      %dma_wait3A_747 = arith.constant 0 : i32
      %dma_wait3A_748 = tpu.memref_slice %arg10[%dma_wait3A_738, %dma_wait3A_739, %dma_wait3A_746, %dma_wait3A_747] : memref<2x4x32x128xf32, #tpu.memory_space<vmem>> -> memref<1x1x32x128xf32, #tpu.memory_space<vmem>>
      %dma_wait3A_749 = tpu.memref_squeeze %dma_wait3A_748 : memref<1x1x32x128xf32, #tpu.memory_space<vmem>> -> memref<32x128xf32, #tpu.memory_space<vmem>>
      %dma_wait3A_750 = arith.constant 0 : i32
      %dma_wait3A_751 = tpu.memref_slice %arg5[%dma_wait3A_750, %multiple_of3A_436] : memref<32x1000000xf32, #tpu.memory_space<hbm>> -> memref<32x128xf32, #tpu.memory_space<hbm>>
      tpu.wait_dma2 semaphore(%arg12 : memref<!tpu.dma_semaphore, #tpu.memory_space<semaphore_mem>>) src(%dma_wait3A_751 : memref<32x128xf32, #tpu.memory_space<hbm>>) dst(%dma_wait3A_749 : memref<32x128xf32, #tpu.memory_space<vmem>>)
      %dma_wait3A_752 = arith.constant 0 : i32
      %dma_wait3A_753 = arith.constant 3 : i32
      %dma_wait3A_754 = arith.constant 0 : i32
      %dma_wait3A_755 = arith.constant 0 : i32
      %dma_wait3A_756 = tpu.memref_slice %arg9[%dma_wait3A_752, %dma_wait3A_753, %dma_wait3A_754, %dma_wait3A_755] : memref<2x4x32x128xf32, #tpu.memory_space<vmem>> -> memref<1x1x32x128xf32, #tpu.memory_space<vmem>>
      %dma_wait3A_757 = tpu.memref_squeeze %dma_wait3A_756 : memref<1x1x32x128xf32, #tpu.memory_space<vmem>> -> memref<32x128xf32, #tpu.memory_space<vmem>>
      %dma_wait3A_758 = arith.constant 0 : i32
      %dma_wait3A_759 = tpu.memref_slice %arg4[%dma_wait3A_758, %multiple_of3A_472] : memref<32x1000000xf32, #tpu.memory_space<hbm>> -> memref<32x128xf32, #tpu.memory_space<hbm>>
      %dma_wait3A_760 = arith.constant 0 : i32
      %dma_wait3A_761 = arith.constant 0 : i32
      %dma_wait3A_762 = tpu.memref_slice %arg9[%dma_wait3A_752, %dma_wait3A_753, %dma_wait3A_760, %dma_wait3A_761] : memref<2x4x32x128xf32, #tpu.memory_space<vmem>> -> memref<1x1x32x128xf32, #tpu.memory_space<vmem>>
      %dma_wait3A_763 = tpu.memref_squeeze %dma_wait3A_762 : memref<1x1x32x128xf32, #tpu.memory_space<vmem>> -> memref<32x128xf32, #tpu.memory_space<vmem>>
      %dma_wait3A_764 = arith.constant 0 : i32
      %dma_wait3A_765 = tpu.memref_slice %arg4[%dma_wait3A_764, %multiple_of3A_472] : memref<32x1000000xf32, #tpu.memory_space<hbm>> -> memref<32x128xf32, #tpu.memory_space<hbm>>
      tpu.wait_dma2 semaphore(%arg12 : memref<!tpu.dma_semaphore, #tpu.memory_space<semaphore_mem>>) src(%dma_wait3A_765 : memref<32x128xf32, #tpu.memory_space<hbm>>) dst(%dma_wait3A_763 : memref<32x128xf32, #tpu.memory_space<vmem>>)
      %dma_wait3A_766 = arith.constant 0 : i32
      %dma_wait3A_767 = arith.constant 3 : i32
      %dma_wait3A_768 = arith.constant 0 : i32
      %dma_wait3A_769 = arith.constant 0 : i32
      %dma_wait3A_770 = tpu.memref_slice %arg10[%dma_wait3A_766, %dma_wait3A_767, %dma_wait3A_768, %dma_wait3A_769] : memref<2x4x32x128xf32, #tpu.memory_space<vmem>> -> memref<1x1x32x128xf32, #tpu.memory_space<vmem>>
      %dma_wait3A_771 = tpu.memref_squeeze %dma_wait3A_770 : memref<1x1x32x128xf32, #tpu.memory_space<vmem>> -> memref<32x128xf32, #tpu.memory_space<vmem>>
      %dma_wait3A_772 = arith.constant 0 : i32
      %dma_wait3A_773 = tpu.memref_slice %arg5[%dma_wait3A_772, %multiple_of3A_476] : memref<32x1000000xf32, #tpu.memory_space<hbm>> -> memref<32x128xf32, #tpu.memory_space<hbm>>
      %dma_wait3A_774 = arith.constant 0 : i32
      %dma_wait3A_775 = arith.constant 0 : i32
      %dma_wait3A_776 = tpu.memref_slice %arg10[%dma_wait3A_766, %dma_wait3A_767, %dma_wait3A_774, %dma_wait3A_775] : memref<2x4x32x128xf32, #tpu.memory_space<vmem>> -> memref<1x1x32x128xf32, #tpu.memory_space<vmem>>
      %dma_wait3A_777 = tpu.memref_squeeze %dma_wait3A_776 : memref<1x1x32x128xf32, #tpu.memory_space<vmem>> -> memref<32x128xf32, #tpu.memory_space<vmem>>
      %dma_wait3A_778 = arith.constant 0 : i32
      %dma_wait3A_779 = tpu.memref_slice %arg5[%dma_wait3A_778, %multiple_of3A_476] : memref<32x1000000xf32, #tpu.memory_space<hbm>> -> memref<32x128xf32, #tpu.memory_space<hbm>>
      tpu.wait_dma2 semaphore(%arg12 : memref<!tpu.dma_semaphore, #tpu.memory_space<semaphore_mem>>) src(%dma_wait3A_779 : memref<32x128xf32, #tpu.memory_space<hbm>>) dst(%dma_wait3A_777 : memref<32x128xf32, #tpu.memory_space<vmem>>)
      %mul3A_780 = arith.constant 2 : i32
      %mul3A_781 = arith.muli %mul3A_780, %scan3A_337 : i32
      %and3A_782 = arith.constant 3 : i32
      %and3A_783 = arith.andi %mul3A_781, %and3A_782 : i32
      %mul3A_784 = arith.constant 4 : i32
      %mul3A_785 = arith.muli %mul3A_784, %and3A_783 : i32
      %slice3A_786 = vector.extract_strided_slice %get3A_343 {offsets = [0], sizes = [1], strides = [1]} : vector<16xi32> to vector<1xi32>
      %squeeze3A_787 = vector.extract %slice3A_786[0] : i32 from vector<1xi32>
      %and3A_788 = arith.constant 127 : i32
      %and3A_789 = arith.andi %squeeze3A_787, %and3A_788 : i32
      %broadcast_in_dim3A_790 = vector.broadcast %and3A_789 : i32 to vector<16xi32>
      %slice3A_791 = vector.extract_strided_slice %get3A_347 {offsets = [0], sizes = [1], strides = [1]} : vector<16xi32> to vector<1xi32>
      %squeeze3A_792 = vector.extract %slice3A_791[0] : i32 from vector<1xi32>
      %and3A_793 = arith.constant 127 : i32
      %and3A_794 = arith.andi %squeeze3A_792, %and3A_793 : i32
      %broadcast_in_dim3A_795 = vector.broadcast %and3A_794 : i32 to vector<16xi32>
      %gather3A_796 = arith.constant 0 : i32
      %gather3A_797 = arith.constant 0 : i32
      %gather3A_798 = arith.constant 0 : i32
      %gather3A_799 = arith.constant 0 : i32
      %gather3A_800 = tpu.memref_slice %arg9[%gather3A_796, %gather3A_797, %gather3A_798, %gather3A_799] : memref<2x4x32x128xf32, #tpu.memory_space<vmem>> -> memref<1x1x32x128xf32, #tpu.memory_space<vmem>>
      %gather3A_801 = tpu.memref_squeeze %gather3A_800 : memref<1x1x32x128xf32, #tpu.memory_space<vmem>> -> memref<32x128xf32, #tpu.memory_space<vmem>>
      %gather3A_802 = tpu.vector_load_idx %gather3A_801[%iota3A, %broadcast_in_dim3A_790] : memref<32x128xf32, #tpu.memory_space<vmem>>[vector<16xi32>, vector<16xi32>], vector<16xf32>,
      %gather3A_803 = arith.constant 0 : i32
      %gather3A_804 = arith.constant 0 : i32
      %gather3A_805 = arith.constant 0 : i32
      %gather3A_806 = arith.constant 0 : i32
      %gather3A_807 = tpu.memref_slice %arg9[%gather3A_803, %gather3A_804, %gather3A_805, %gather3A_806] : memref<2x4x32x128xf32, #tpu.memory_space<vmem>> -> memref<1x1x32x128xf32, #tpu.memory_space<vmem>>
      %gather3A_808 = tpu.memref_squeeze %gather3A_807 : memref<1x1x32x128xf32, #tpu.memory_space<vmem>> -> memref<32x128xf32, #tpu.memory_space<vmem>>
      %gather3A_809 = tpu.vector_load_idx %gather3A_808[%add3A_5, %broadcast_in_dim3A_790] : memref<32x128xf32, #tpu.memory_space<vmem>>[vector<16xi32>, vector<16xi32>], vector<16xf32>,
      %gather3A_810 = arith.constant 0 : i32
      %gather3A_811 = arith.constant 0 : i32
      %gather3A_812 = arith.constant 0 : i32
      %gather3A_813 = arith.constant 0 : i32
      %gather3A_814 = tpu.memref_slice %arg10[%gather3A_810, %gather3A_811, %gather3A_812, %gather3A_813] : memref<2x4x32x128xf32, #tpu.memory_space<vmem>> -> memref<1x1x32x128xf32, #tpu.memory_space<vmem>>
      %gather3A_815 = tpu.memref_squeeze %gather3A_814 : memref<1x1x32x128xf32, #tpu.memory_space<vmem>> -> memref<32x128xf32, #tpu.memory_space<vmem>>
      %gather3A_816 = tpu.vector_load_idx %gather3A_815[%iota3A, %broadcast_in_dim3A_795] : memref<32x128xf32, #tpu.memory_space<vmem>>[vector<16xi32>, vector<16xi32>], vector<16xf32>,
      %gather3A_817 = arith.constant 0 : i32
      %gather3A_818 = arith.constant 0 : i32
      %gather3A_819 = arith.constant 0 : i32
      %gather3A_820 = arith.constant 0 : i32
      %gather3A_821 = tpu.memref_slice %arg10[%gather3A_817, %gather3A_818, %gather3A_819, %gather3A_820] : memref<2x4x32x128xf32, #tpu.memory_space<vmem>> -> memref<1x1x32x128xf32, #tpu.memory_space<vmem>>
      %gather3A_822 = tpu.memref_squeeze %gather3A_821 : memref<1x1x32x128xf32, #tpu.memory_space<vmem>> -> memref<32x128xf32, #tpu.memory_space<vmem>>
      %gather3A_823 = tpu.vector_load_idx %gather3A_822[%add3A_5, %broadcast_in_dim3A_795] : memref<32x128xf32, #tpu.memory_space<vmem>>[vector<16xi32>, vector<16xi32>], vector<16xf32>,
      %mul3A_824 = arith.mulf %gather3A_802, %gather3A_816 : vector<16xf32>
      %mul3A_825 = arith.mulf %gather3A_809, %gather3A_823 : vector<16xf32>
      %add3A_826 = arith.addf %mul3A_824, %mul3A_825 : vector<16xf32>
      %reduce_sum3A_827 = arith.constant true
      %reduce_sum3A_828 = vector.broadcast %reduce_sum3A_827 : i1 to vector<16xi1>
      %reduce_sum3A_829 = tpu.scan <sum>, %add3A_826 masked %reduce_sum3A_828 : vector<16xf32>, vector<16xi1> -> vector<16xf32>
      %reduce_sum3A_830 = vector.extract %reduce_sum3A_829[15] : f32 from vector<16xf32>
      %add3A_831 = arith.constant 0 : i32
      %add3A_832 = arith.addi %mul3A_785, %add3A_831 : i32
      %eq3A_833 = vector.broadcast %add3A_832 : i32 to vector<16xi32>
      %eq3A_834 = arith.cmpi eq, %iota3A, %eq3A_833 : vector<16xi32>
      %broadcast_in_dim3A_835 = vector.broadcast %reduce_sum3A_830 : f32 to vector<16xf32>
      %select_n3A_836 = arith.select %eq3A_834, %broadcast_in_dim3A_835, %cond3A_507 : vector<16xi1>, vector<16xf32>
      %slice3A_837 = vector.extract_strided_slice %get3A_343 {offsets = [1], sizes = [1], strides = [1]} : vector<16xi32> to vector<1xi32>
      %squeeze3A_838 = vector.extract %slice3A_837[0] : i32 from vector<1xi32>
      %and3A_839 = arith.constant 127 : i32
      %and3A_840 = arith.andi %squeeze3A_838, %and3A_839 : i32
      %broadcast_in_dim3A_841 = vector.broadcast %and3A_840 : i32 to vector<16xi32>
      %slice3A_842 = vector.extract_strided_slice %get3A_347 {offsets = [1], sizes = [1], strides = [1]} : vector<16xi32> to vector<1xi32>
      %squeeze3A_843 = vector.extract %slice3A_842[0] : i32 from vector<1xi32>
      %and3A_844 = arith.constant 127 : i32
      %and3A_845 = arith.andi %squeeze3A_843, %and3A_844 : i32
      %broadcast_in_dim3A_846 = vector.broadcast %and3A_845 : i32 to vector<16xi32>
      %gather3A_847 = arith.constant 0 : i32
      %gather3A_848 = arith.constant 1 : i32
      %gather3A_849 = arith.constant 0 : i32
      %gather3A_850 = arith.constant 0 : i32
      %gather3A_851 = tpu.memref_slice %arg9[%gather3A_847, %gather3A_848, %gather3A_849, %gather3A_850] : memref<2x4x32x128xf32, #tpu.memory_space<vmem>> -> memref<1x1x32x128xf32, #tpu.memory_space<vmem>>
      %gather3A_852 = tpu.memref_squeeze %gather3A_851 : memref<1x1x32x128xf32, #tpu.memory_space<vmem>> -> memref<32x128xf32, #tpu.memory_space<vmem>>
      %gather3A_853 = tpu.vector_load_idx %gather3A_852[%iota3A, %broadcast_in_dim3A_841] : memref<32x128xf32, #tpu.memory_space<vmem>>[vector<16xi32>, vector<16xi32>], vector<16xf32>,
      %gather3A_854 = arith.constant 0 : i32
      %gather3A_855 = arith.constant 1 : i32
      %gather3A_856 = arith.constant 0 : i32
      %gather3A_857 = arith.constant 0 : i32
      %gather3A_858 = tpu.memref_slice %arg9[%gather3A_854, %gather3A_855, %gather3A_856, %gather3A_857] : memref<2x4x32x128xf32, #tpu.memory_space<vmem>> -> memref<1x1x32x128xf32, #tpu.memory_space<vmem>>
      %gather3A_859 = tpu.memref_squeeze %gather3A_858 : memref<1x1x32x128xf32, #tpu.memory_space<vmem>> -> memref<32x128xf32, #tpu.memory_space<vmem>>
      %gather3A_860 = tpu.vector_load_idx %gather3A_859[%add3A_5, %broadcast_in_dim3A_841] : memref<32x128xf32, #tpu.memory_space<vmem>>[vector<16xi32>, vector<16xi32>], vector<16xf32>,
      %gather3A_861 = arith.constant 0 : i32
      %gather3A_862 = arith.constant 1 : i32
      %gather3A_863 = arith.constant 0 : i32
      %gather3A_864 = arith.constant 0 : i32
      %gather3A_865 = tpu.memref_slice %arg10[%gather3A_861, %gather3A_862, %gather3A_863, %gather3A_864] : memref<2x4x32x128xf32, #tpu.memory_space<vmem>> -> memref<1x1x32x128xf32, #tpu.memory_space<vmem>>
      %gather3A_866 = tpu.memref_squeeze %gather3A_865 : memref<1x1x32x128xf32, #tpu.memory_space<vmem>> -> memref<32x128xf32, #tpu.memory_space<vmem>>
      %gather3A_867 = tpu.vector_load_idx %gather3A_866[%iota3A, %broadcast_in_dim3A_846] : memref<32x128xf32, #tpu.memory_space<vmem>>[vector<16xi32>, vector<16xi32>], vector<16xf32>,
      %gather3A_868 = arith.constant 0 : i32
      %gather3A_869 = arith.constant 1 : i32
      %gather3A_870 = arith.constant 0 : i32
      %gather3A_871 = arith.constant 0 : i32
      %gather3A_872 = tpu.memref_slice %arg10[%gather3A_868, %gather3A_869, %gather3A_870, %gather3A_871] : memref<2x4x32x128xf32, #tpu.memory_space<vmem>> -> memref<1x1x32x128xf32, #tpu.memory_space<vmem>>
      %gather3A_873 = tpu.memref_squeeze %gather3A_872 : memref<1x1x32x128xf32, #tpu.memory_space<vmem>> -> memref<32x128xf32, #tpu.memory_space<vmem>>
      %gather3A_874 = tpu.vector_load_idx %gather3A_873[%add3A_5, %broadcast_in_dim3A_846] : memref<32x128xf32, #tpu.memory_space<vmem>>[vector<16xi32>, vector<16xi32>], vector<16xf32>,
      %mul3A_875 = arith.mulf %gather3A_853, %gather3A_867 : vector<16xf32>
      %mul3A_876 = arith.mulf %gather3A_860, %gather3A_874 : vector<16xf32>
      %add3A_877 = arith.addf %mul3A_875, %mul3A_876 : vector<16xf32>
      %reduce_sum3A_878 = arith.constant true
      %reduce_sum3A_879 = vector.broadcast %reduce_sum3A_878 : i1 to vector<16xi1>
      %reduce_sum3A_880 = tpu.scan <sum>, %add3A_877 masked %reduce_sum3A_879 : vector<16xf32>, vector<16xi1> -> vector<16xf32>
      %reduce_sum3A_881 = vector.extract %reduce_sum3A_880[15] : f32 from vector<16xf32>
      %add3A_882 = arith.constant 1 : i32
      %add3A_883 = arith.addi %mul3A_785, %add3A_882 : i32
      %eq3A_884 = vector.broadcast %add3A_883 : i32 to vector<16xi32>
      %eq3A_885 = arith.cmpi eq, %iota3A, %eq3A_884 : vector<16xi32>
      %broadcast_in_dim3A_886 = vector.broadcast %reduce_sum3A_881 : f32 to vector<16xf32>
      %select_n3A_887 = arith.select %eq3A_885, %broadcast_in_dim3A_886, %select_n3A_836 : vector<16xi1>, vector<16xf32>
      %slice3A_888 = vector.extract_strided_slice %get3A_343 {offsets = [2], sizes = [1], strides = [1]} : vector<16xi32> to vector<1xi32>
      %squeeze3A_889 = vector.extract %slice3A_888[0] : i32 from vector<1xi32>
      %and3A_890 = arith.constant 127 : i32
      %and3A_891 = arith.andi %squeeze3A_889, %and3A_890 : i32
      %broadcast_in_dim3A_892 = vector.broadcast %and3A_891 : i32 to vector<16xi32>
      %slice3A_893 = vector.extract_strided_slice %get3A_347 {offsets = [2], sizes = [1], strides = [1]} : vector<16xi32> to vector<1xi32>
      %squeeze3A_894 = vector.extract %slice3A_893[0] : i32 from vector<1xi32>
      %and3A_895 = arith.constant 127 : i32
      %and3A_896 = arith.andi %squeeze3A_894, %and3A_895 : i32
      %broadcast_in_dim3A_897 = vector.broadcast %and3A_896 : i32 to vector<16xi32>
      %gather3A_898 = arith.constant 0 : i32
      %gather3A_899 = arith.constant 2 : i32
      %gather3A_900 = arith.constant 0 : i32
      %gather3A_901 = arith.constant 0 : i32
      %gather3A_902 = tpu.memref_slice %arg9[%gather3A_898, %gather3A_899, %gather3A_900, %gather3A_901] : memref<2x4x32x128xf32, #tpu.memory_space<vmem>> -> memref<1x1x32x128xf32, #tpu.memory_space<vmem>>
      %gather3A_903 = tpu.memref_squeeze %gather3A_902 : memref<1x1x32x128xf32, #tpu.memory_space<vmem>> -> memref<32x128xf32, #tpu.memory_space<vmem>>
      %gather3A_904 = tpu.vector_load_idx %gather3A_903[%iota3A, %broadcast_in_dim3A_892] : memref<32x128xf32, #tpu.memory_space<vmem>>[vector<16xi32>, vector<16xi32>], vector<16xf32>,
      %gather3A_905 = arith.constant 0 : i32
      %gather3A_906 = arith.constant 2 : i32
      %gather3A_907 = arith.constant 0 : i32
      %gather3A_908 = arith.constant 0 : i32
      %gather3A_909 = tpu.memref_slice %arg9[%gather3A_905, %gather3A_906, %gather3A_907, %gather3A_908] : memref<2x4x32x128xf32, #tpu.memory_space<vmem>> -> memref<1x1x32x128xf32, #tpu.memory_space<vmem>>
      %gather3A_910 = tpu.memref_squeeze %gather3A_909 : memref<1x1x32x128xf32, #tpu.memory_space<vmem>> -> memref<32x128xf32, #tpu.memory_space<vmem>>
      %gather3A_911 = tpu.vector_load_idx %gather3A_910[%add3A_5, %broadcast_in_dim3A_892] : memref<32x128xf32, #tpu.memory_space<vmem>>[vector<16xi32>, vector<16xi32>], vector<16xf32>,
      %gather3A_912 = arith.constant 0 : i32
      %gather3A_913 = arith.constant 2 : i32
      %gather3A_914 = arith.constant 0 : i32
      %gather3A_915 = arith.constant 0 : i32
      %gather3A_916 = tpu.memref_slice %arg10[%gather3A_912, %gather3A_913, %gather3A_914, %gather3A_915] : memref<2x4x32x128xf32, #tpu.memory_space<vmem>> -> memref<1x1x32x128xf32, #tpu.memory_space<vmem>>
      %gather3A_917 = tpu.memref_squeeze %gather3A_916 : memref<1x1x32x128xf32, #tpu.memory_space<vmem>> -> memref<32x128xf32, #tpu.memory_space<vmem>>
      %gather3A_918 = tpu.vector_load_idx %gather3A_917[%iota3A, %broadcast_in_dim3A_897] : memref<32x128xf32, #tpu.memory_space<vmem>>[vector<16xi32>, vector<16xi32>], vector<16xf32>,
      %gather3A_919 = arith.constant 0 : i32
      %gather3A_920 = arith.constant 2 : i32
      %gather3A_921 = arith.constant 0 : i32
      %gather3A_922 = arith.constant 0 : i32
      %gather3A_923 = tpu.memref_slice %arg10[%gather3A_919, %gather3A_920, %gather3A_921, %gather3A_922] : memref<2x4x32x128xf32, #tpu.memory_space<vmem>> -> memref<1x1x32x128xf32, #tpu.memory_space<vmem>>
      %gather3A_924 = tpu.memref_squeeze %gather3A_923 : memref<1x1x32x128xf32, #tpu.memory_space<vmem>> -> memref<32x128xf32, #tpu.memory_space<vmem>>
      %gather3A_925 = tpu.vector_load_idx %gather3A_924[%add3A_5, %broadcast_in_dim3A_897] : memref<32x128xf32, #tpu.memory_space<vmem>>[vector<16xi32>, vector<16xi32>], vector<16xf32>,
      %mul3A_926 = arith.mulf %gather3A_904, %gather3A_918 : vector<16xf32>
      %mul3A_927 = arith.mulf %gather3A_911, %gather3A_925 : vector<16xf32>
      %add3A_928 = arith.addf %mul3A_926, %mul3A_927 : vector<16xf32>
      %reduce_sum3A_929 = arith.constant true
      %reduce_sum3A_930 = vector.broadcast %reduce_sum3A_929 : i1 to vector<16xi1>
      %reduce_sum3A_931 = tpu.scan <sum>, %add3A_928 masked %reduce_sum3A_930 : vector<16xf32>, vector<16xi1> -> vector<16xf32>
      %reduce_sum3A_932 = vector.extract %reduce_sum3A_931[15] : f32 from vector<16xf32>
      %add3A_933 = arith.constant 2 : i32
      %add3A_934 = arith.addi %mul3A_785, %add3A_933 : i32
      %eq3A_935 = vector.broadcast %add3A_934 : i32 to vector<16xi32>
      %eq3A_936 = arith.cmpi eq, %iota3A, %eq3A_935 : vector<16xi32>
      %broadcast_in_dim3A_937 = vector.broadcast %reduce_sum3A_932 : f32 to vector<16xf32>
      %select_n3A_938 = arith.select %eq3A_936, %broadcast_in_dim3A_937, %select_n3A_887 : vector<16xi1>, vector<16xf32>
      %slice3A_939 = vector.extract_strided_slice %get3A_343 {offsets = [3], sizes = [1], strides = [1]} : vector<16xi32> to vector<1xi32>
      %squeeze3A_940 = vector.extract %slice3A_939[0] : i32 from vector<1xi32>
      %and3A_941 = arith.constant 127 : i32
      %and3A_942 = arith.andi %squeeze3A_940, %and3A_941 : i32
      %broadcast_in_dim3A_943 = vector.broadcast %and3A_942 : i32 to vector<16xi32>
      %slice3A_944 = vector.extract_strided_slice %get3A_347 {offsets = [3], sizes = [1], strides = [1]} : vector<16xi32> to vector<1xi32>
      %squeeze3A_945 = vector.extract %slice3A_944[0] : i32 from vector<1xi32>
      %and3A_946 = arith.constant 127 : i32
      %and3A_947 = arith.andi %squeeze3A_945, %and3A_946 : i32
      %broadcast_in_dim3A_948 = vector.broadcast %and3A_947 : i32 to vector<16xi32>
      %gather3A_949 = arith.constant 0 : i32
      %gather3A_950 = arith.constant 3 : i32
      %gather3A_951 = arith.constant 0 : i32
      %gather3A_952 = arith.constant 0 : i32
      %gather3A_953 = tpu.memref_slice %arg9[%gather3A_949, %gather3A_950, %gather3A_951, %gather3A_952] : memref<2x4x32x128xf32, #tpu.memory_space<vmem>> -> memref<1x1x32x128xf32, #tpu.memory_space<vmem>>
      %gather3A_954 = tpu.memref_squeeze %gather3A_953 : memref<1x1x32x128xf32, #tpu.memory_space<vmem>> -> memref<32x128xf32, #tpu.memory_space<vmem>>
      %gather3A_955 = tpu.vector_load_idx %gather3A_954[%iota3A, %broadcast_in_dim3A_943] : memref<32x128xf32, #tpu.memory_space<vmem>>[vector<16xi32>, vector<16xi32>], vector<16xf32>,
      %gather3A_956 = arith.constant 0 : i32
      %gather3A_957 = arith.constant 3 : i32
      %gather3A_958 = arith.constant 0 : i32
      %gather3A_959 = arith.constant 0 : i32
      %gather3A_960 = tpu.memref_slice %arg9[%gather3A_956, %gather3A_957, %gather3A_958, %gather3A_959] : memref<2x4x32x128xf32, #tpu.memory_space<vmem>> -> memref<1x1x32x128xf32, #tpu.memory_space<vmem>>
      %gather3A_961 = tpu.memref_squeeze %gather3A_960 : memref<1x1x32x128xf32, #tpu.memory_space<vmem>> -> memref<32x128xf32, #tpu.memory_space<vmem>>
      %gather3A_962 = tpu.vector_load_idx %gather3A_961[%add3A_5, %broadcast_in_dim3A_943] : memref<32x128xf32, #tpu.memory_space<vmem>>[vector<16xi32>, vector<16xi32>], vector<16xf32>,
      %gather3A_963 = arith.constant 0 : i32
      %gather3A_964 = arith.constant 3 : i32
      %gather3A_965 = arith.constant 0 : i32
      %gather3A_966 = arith.constant 0 : i32
      %gather3A_967 = tpu.memref_slice %arg10[%gather3A_963, %gather3A_964, %gather3A_965, %gather3A_966] : memref<2x4x32x128xf32, #tpu.memory_space<vmem>> -> memref<1x1x32x128xf32, #tpu.memory_space<vmem>>
      %gather3A_968 = tpu.memref_squeeze %gather3A_967 : memref<1x1x32x128xf32, #tpu.memory_space<vmem>> -> memref<32x128xf32, #tpu.memory_space<vmem>>
      %gather3A_969 = tpu.vector_load_idx %gather3A_968[%iota3A, %broadcast_in_dim3A_948] : memref<32x128xf32, #tpu.memory_space<vmem>>[vector<16xi32>, vector<16xi32>], vector<16xf32>,
      %gather3A_970 = arith.constant 0 : i32
      %gather3A_971 = arith.constant 3 : i32
      %gather3A_972 = arith.constant 0 : i32
      %gather3A_973 = arith.constant 0 : i32
      %gather3A_974 = tpu.memref_slice %arg10[%gather3A_970, %gather3A_971, %gather3A_972, %gather3A_973] : memref<2x4x32x128xf32, #tpu.memory_space<vmem>> -> memref<1x1x32x128xf32, #tpu.memory_space<vmem>>
      %gather3A_975 = tpu.memref_squeeze %gather3A_974 : memref<1x1x32x128xf32, #tpu.memory_space<vmem>> -> memref<32x128xf32, #tpu.memory_space<vmem>>
      %gather3A_976 = tpu.vector_load_idx %gather3A_975[%add3A_5, %broadcast_in_dim3A_948] : memref<32x128xf32, #tpu.memory_space<vmem>>[vector<16xi32>, vector<16xi32>], vector<16xf32>,
      %mul3A_977 = arith.mulf %gather3A_955, %gather3A_969 : vector<16xf32>
      %mul3A_978 = arith.mulf %gather3A_962, %gather3A_976 : vector<16xf32>
      %add3A_979 = arith.addf %mul3A_977, %mul3A_978 : vector<16xf32>
      %reduce_sum3A_980 = arith.constant true
      %reduce_sum3A_981 = vector.broadcast %reduce_sum3A_980 : i1 to vector<16xi1>
      %reduce_sum3A_982 = tpu.scan <sum>, %add3A_979 masked %reduce_sum3A_981 : vector<16xf32>, vector<16xi1> -> vector<16xf32>
      %reduce_sum3A_983 = vector.extract %reduce_sum3A_982[15] : f32 from vector<16xf32>
      %add3A_984 = arith.constant 3 : i32
      %add3A_985 = arith.addi %mul3A_785, %add3A_984 : i32
      %eq3A_986 = vector.broadcast %add3A_985 : i32 to vector<16xi32>
      %eq3A_987 = arith.cmpi eq, %iota3A, %eq3A_986 : vector<16xi32>
      %broadcast_in_dim3A_988 = vector.broadcast %reduce_sum3A_983 : f32 to vector<16xf32>
      %select_n3A_989 = arith.select %eq3A_987, %broadcast_in_dim3A_988, %select_n3A_938 : vector<16xi1>, vector<16xf32>
      %mul3A_990 = arith.constant 2 : i32
      %mul3A_991 = arith.muli %mul3A_990, %scan3A_337 : i32
      %and3A_992 = arith.constant 3 : i32
      %and3A_993 = arith.andi %mul3A_991, %and3A_992 : i32
      %eq3A_994 = arith.constant 3 : i32
      %eq3A_995 = arith.cmpi eq, %and3A_993, %eq3A_994 : i32
      %convert_element_type3A_996 = arith.extui %eq3A_995 : i1 to i32
      %cond3A_997 = arith.constant 0 : i32
      %cond3A_998 = arith.cmpi ne, %convert_element_type3A_996, %cond3A_997 : i32
      scf.if %cond3A_998 {
        %shift_right_arithmetic3A = arith.constant 2 : i32
        %shift_right_arithmetic3A_1006 = arith.shrsi %mul3A_991, %shift_right_arithmetic3A : i32
        %mul3A_1007 = arith.constant 16 : i32
        %mul3A_1008 = arith.muli %shift_right_arithmetic3A_1006, %mul3A_1007 : i32
        %swap3A_1009 = arith.index_cast %mul3A_1008 : i32 to index
        %swap3A_1010 = tpu.vector_load %arg11[%swap3A_1009] {strides = array<i32>} : memref<512xf32, #tpu.memory_space<vmem>>, vector<16xf32>,
        tpu.vector_store %arg11[%swap3A_1009], %select_n3A_989 {strides = array<i32>} : memref<512xf32, #tpu.memory_space<vmem>>, vector<16xf32>,
      } else {
      }
      %and3A_999 = arith.constant 3 : i32
      %and3A_1000 = arith.andi %mul3A_991, %and3A_999 : i32
      %eq3A_1001 = arith.constant 3 : i32
      %eq3A_1002 = arith.cmpi eq, %and3A_1000, %eq3A_1001 : i32
      %broadcast_in_dim3A_1003 = arith.constant 0.000000e+00 : f32
      %broadcast_in_dim3A_1004 = vector.broadcast %broadcast_in_dim3A_1003 : f32 to vector<16xf32>
      %select_n3A_1005 = arith.select %eq3A_1002, %broadcast_in_dim3A_1004, %select_n3A_989 : vector<16xf32>
      scf.yield %get3A_343, %get3A_347, %select_n3A_1005 : vector<16xi32>, vector<16xi32>, vector<16xf32>
    }
    %scan3A_15 = arith.constant 64 : i32
    %dma_wait3A = arith.constant 1 : i32
    %dma_wait3A_16 = arith.constant 0 : i32
    %dma_wait3A_17 = arith.constant 0 : i32
    %dma_wait3A_18 = arith.constant 0 : i32
    %dma_wait3A_19 = tpu.memref_slice %arg9[%dma_wait3A, %dma_wait3A_16, %dma_wait3A_17, %dma_wait3A_18] : memref<2x4x32x128xf32, #tpu.memory_space<vmem>> -> memref<1x1x32x128xf32, #tpu.memory_space<vmem>>
    %dma_wait3A_20 = tpu.memref_squeeze %dma_wait3A_19 : memref<1x1x32x128xf32, #tpu.memory_space<vmem>> -> memref<32x128xf32, #tpu.memory_space<vmem>>
    %dma_wait3A_21 = arith.constant 0 : i32
    %dma_wait3A_22 = arith.constant 0 : i32
    %dma_wait3A_23 = tpu.memref_slice %arg4[%dma_wait3A_21, %dma_wait3A_22] : memref<32x1000000xf32, #tpu.memory_space<hbm>> -> memref<32x128xf32, #tpu.memory_space<hbm>>
    %dma_wait3A_24 = arith.constant 0 : i32
    %dma_wait3A_25 = arith.constant 0 : i32
    %dma_wait3A_26 = tpu.memref_slice %arg9[%dma_wait3A, %dma_wait3A_16, %dma_wait3A_24, %dma_wait3A_25] : memref<2x4x32x128xf32, #tpu.memory_space<vmem>> -> memref<1x1x32x128xf32, #tpu.memory_space<vmem>>
    %dma_wait3A_27 = tpu.memref_squeeze %dma_wait3A_26 : memref<1x1x32x128xf32, #tpu.memory_space<vmem>> -> memref<32x128xf32, #tpu.memory_space<vmem>>
    %dma_wait3A_28 = arith.constant 0 : i32
    %dma_wait3A_29 = arith.constant 0 : i32
    %dma_wait3A_30 = tpu.memref_slice %arg4[%dma_wait3A_28, %dma_wait3A_29] : memref<32x1000000xf32, #tpu.memory_space<hbm>> -> memref<32x128xf32, #tpu.memory_space<hbm>>
    tpu.wait_dma2 semaphore(%arg13 : memref<!tpu.dma_semaphore, #tpu.memory_space<semaphore_mem>>) src(%dma_wait3A_30 : memref<32x128xf32, #tpu.memory_space<hbm>>) dst(%dma_wait3A_27 : memref<32x128xf32, #tpu.memory_space<vmem>>)
    %dma_wait3A_31 = arith.constant 1 : i32
    %dma_wait3A_32 = arith.constant 0 : i32
    %dma_wait3A_33 = arith.constant 0 : i32
    %dma_wait3A_34 = arith.constant 0 : i32
    %dma_wait3A_35 = tpu.memref_slice %arg9[%dma_wait3A_31, %dma_wait3A_32, %dma_wait3A_33, %dma_wait3A_34] : memref<2x4x32x128xf32, #tpu.memory_space<vmem>> -> memref<1x1x32x128xf32, #tpu.memory_space<vmem>>
    %dma_wait3A_36 = tpu.memref_squeeze %dma_wait3A_35 : memref<1x1x32x128xf32, #tpu.memory_space<vmem>> -> memref<32x128xf32, #tpu.memory_space<vmem>>
    %dma_wait3A_37 = arith.constant 0 : i32
    %dma_wait3A_38 = arith.constant 0 : i32
    %dma_wait3A_39 = tpu.memref_slice %arg4[%dma_wait3A_37, %dma_wait3A_38] : memref<32x1000000xf32, #tpu.memory_space<hbm>> -> memref<32x128xf32, #tpu.memory_space<hbm>>
    %dma_wait3A_40 = arith.constant 0 : i32
    %dma_wait3A_41 = arith.constant 0 : i32
    %dma_wait3A_42 = tpu.memref_slice %arg9[%dma_wait3A_31, %dma_wait3A_32, %dma_wait3A_40, %dma_wait3A_41] : memref<2x4x32x128xf32, #tpu.memory_space<vmem>> -> memref<1x1x32x128xf32, #tpu.memory_space<vmem>>
    %dma_wait3A_43 = tpu.memref_squeeze %dma_wait3A_42 : memref<1x1x32x128xf32, #tpu.memory_space<vmem>> -> memref<32x128xf32, #tpu.memory_space<vmem>>
    %dma_wait3A_44 = arith.constant 0 : i32
    %dma_wait3A_45 = arith.constant 0 : i32
    %dma_wait3A_46 = tpu.memref_slice %arg4[%dma_wait3A_44, %dma_wait3A_45] : memref<32x1000000xf32, #tpu.memory_space<hbm>> -> memref<32x128xf32, #tpu.memory_space<hbm>>
    tpu.wait_dma2 semaphore(%arg13 : memref<!tpu.dma_semaphore, #tpu.memory_space<semaphore_mem>>) src(%dma_wait3A_46 : memref<32x128xf32, #tpu.memory_space<hbm>>) dst(%dma_wait3A_43 : memref<32x128xf32, #tpu.memory_space<vmem>>)
    %dma_wait3A_47 = arith.constant 1 : i32
    %dma_wait3A_48 = arith.constant 0 : i32
    %dma_wait3A_49 = arith.constant 0 : i32
    %dma_wait3A_50 = arith.constant 0 : i32
    %dma_wait3A_51 = tpu.memref_slice %arg9[%dma_wait3A_47, %dma_wait3A_48, %dma_wait3A_49, %dma_wait3A_50] : memref<2x4x32x128xf32, #tpu.memory_space<vmem>> -> memref<1x1x32x128xf32, #tpu.memory_space<vmem>>
    %dma_wait3A_52 = tpu.memref_squeeze %dma_wait3A_51 : memref<1x1x32x128xf32, #tpu.memory_space<vmem>> -> memref<32x128xf32, #tpu.memory_space<vmem>>
    %dma_wait3A_53 = arith.constant 0 : i32
    %dma_wait3A_54 = arith.constant 0 : i32
    %dma_wait3A_55 = tpu.memref_slice %arg4[%dma_wait3A_53, %dma_wait3A_54] : memref<32x1000000xf32, #tpu.memory_space<hbm>> -> memref<32x128xf32, #tpu.memory_space<hbm>>
    %dma_wait3A_56 = arith.constant 0 : i32
    %dma_wait3A_57 = arith.constant 0 : i32
    %dma_wait3A_58 = tpu.memref_slice %arg9[%dma_wait3A_47, %dma_wait3A_48, %dma_wait3A_56, %dma_wait3A_57] : memref<2x4x32x128xf32, #tpu.memory_space<vmem>> -> memref<1x1x32x128xf32, #tpu.memory_space<vmem>>
    %dma_wait3A_59 = tpu.memref_squeeze %dma_wait3A_58 : memref<1x1x32x128xf32, #tpu.memory_space<vmem>> -> memref<32x128xf32, #tpu.memory_space<vmem>>
    %dma_wait3A_60 = arith.constant 0 : i32
    %dma_wait3A_61 = arith.constant 0 : i32
    %dma_wait3A_62 = tpu.memref_slice %arg4[%dma_wait3A_60, %dma_wait3A_61] : memref<32x1000000xf32, #tpu.memory_space<hbm>> -> memref<32x128xf32, #tpu.memory_space<hbm>>
    tpu.wait_dma2 semaphore(%arg13 : memref<!tpu.dma_semaphore, #tpu.memory_space<semaphore_mem>>) src(%dma_wait3A_62 : memref<32x128xf32, #tpu.memory_space<hbm>>) dst(%dma_wait3A_59 : memref<32x128xf32, #tpu.memory_space<vmem>>)
    %dma_wait3A_63 = arith.constant 1 : i32
    %dma_wait3A_64 = arith.constant 0 : i32
    %dma_wait3A_65 = arith.constant 0 : i32
    %dma_wait3A_66 = arith.constant 0 : i32
    %dma_wait3A_67 = tpu.memref_slice %arg9[%dma_wait3A_63, %dma_wait3A_64, %dma_wait3A_65, %dma_wait3A_66] : memref<2x4x32x128xf32, #tpu.memory_space<vmem>> -> memref<1x1x32x128xf32, #tpu.memory_space<vmem>>
    %dma_wait3A_68 = tpu.memref_squeeze %dma_wait3A_67 : memref<1x1x32x128xf32, #tpu.memory_space<vmem>> -> memref<32x128xf32, #tpu.memory_space<vmem>>
    %dma_wait3A_69 = arith.constant 0 : i32
    %dma_wait3A_70 = arith.constant 0 : i32
    %dma_wait3A_71 = tpu.memref_slice %arg4[%dma_wait3A_69, %dma_wait3A_70] : memref<32x1000000xf32, #tpu.memory_space<hbm>> -> memref<32x128xf32, #tpu.memory_space<hbm>>
    %dma_wait3A_72 = arith.constant 0 : i32
    %dma_wait3A_73 = arith.constant 0 : i32
    %dma_wait3A_74 = tpu.memref_slice %arg9[%dma_wait3A_63, %dma_wait3A_64, %dma_wait3A_72, %dma_wait3A_73] : memref<2x4x32x128xf32, #tpu.memory_space<vmem>> -> memref<1x1x32x128xf32, #tpu.memory_space<vmem>>
    %dma_wait3A_75 = tpu.memref_squeeze %dma_wait3A_74 : memref<1x1x32x128xf32, #tpu.memory_space<vmem>> -> memref<32x128xf32, #tpu.memory_space<vmem>>
    %dma_wait3A_76 = arith.constant 0 : i32
    %dma_wait3A_77 = arith.constant 0 : i32
    %dma_wait3A_78 = tpu.memref_slice %arg4[%dma_wait3A_76, %dma_wait3A_77] : memref<32x1000000xf32, #tpu.memory_space<hbm>> -> memref<32x128xf32, #tpu.memory_space<hbm>>
    tpu.wait_dma2 semaphore(%arg13 : memref<!tpu.dma_semaphore, #tpu.memory_space<semaphore_mem>>) src(%dma_wait3A_78 : memref<32x128xf32, #tpu.memory_space<hbm>>) dst(%dma_wait3A_75 : memref<32x128xf32, #tpu.memory_space<vmem>>)
    %dma_wait3A_79 = arith.constant 1 : i32
    %dma_wait3A_80 = arith.constant 0 : i32
    %dma_wait3A_81 = arith.constant 0 : i32
    %dma_wait3A_82 = arith.constant 0 : i32
    %dma_wait3A_83 = tpu.memref_slice %arg9[%dma_wait3A_79, %dma_wait3A_80, %dma_wait3A_81, %dma_wait3A_82] : memref<2x4x32x128xf32, #tpu.memory_space<vmem>> -> memref<1x1x32x128xf32, #tpu.memory_space<vmem>>
    %dma_wait3A_84 = tpu.memref_squeeze %dma_wait3A_83 : memref<1x1x32x128xf32, #tpu.memory_space<vmem>> -> memref<32x128xf32, #tpu.memory_space<vmem>>
    %dma_wait3A_85 = arith.constant 0 : i32
    %dma_wait3A_86 = arith.constant 0 : i32
    %dma_wait3A_87 = tpu.memref_slice %arg4[%dma_wait3A_85, %dma_wait3A_86] : memref<32x1000000xf32, #tpu.memory_space<hbm>> -> memref<32x128xf32, #tpu.memory_space<hbm>>
    %dma_wait3A_88 = arith.constant 0 : i32
    %dma_wait3A_89 = arith.constant 0 : i32
    %dma_wait3A_90 = tpu.memref_slice %arg9[%dma_wait3A_79, %dma_wait3A_80, %dma_wait3A_88, %dma_wait3A_89] : memref<2x4x32x128xf32, #tpu.memory_space<vmem>> -> memref<1x1x32x128xf32, #tpu.memory_space<vmem>>
    %dma_wait3A_91 = tpu.memref_squeeze %dma_wait3A_90 : memref<1x1x32x128xf32, #tpu.memory_space<vmem>> -> memref<32x128xf32, #tpu.memory_space<vmem>>
    %dma_wait3A_92 = arith.constant 0 : i32
    %dma_wait3A_93 = arith.constant 0 : i32
    %dma_wait3A_94 = tpu.memref_slice %arg4[%dma_wait3A_92, %dma_wait3A_93] : memref<32x1000000xf32, #tpu.memory_space<hbm>> -> memref<32x128xf32, #tpu.memory_space<hbm>>
    tpu.wait_dma2 semaphore(%arg13 : memref<!tpu.dma_semaphore, #tpu.memory_space<semaphore_mem>>) src(%dma_wait3A_94 : memref<32x128xf32, #tpu.memory_space<hbm>>) dst(%dma_wait3A_91 : memref<32x128xf32, #tpu.memory_space<vmem>>)
    %dma_wait3A_95 = arith.constant 1 : i32
    %dma_wait3A_96 = arith.constant 0 : i32
    %dma_wait3A_97 = arith.constant 0 : i32
    %dma_wait3A_98 = arith.constant 0 : i32
    %dma_wait3A_99 = tpu.memref_slice %arg9[%dma_wait3A_95, %dma_wait3A_96, %dma_wait3A_97, %dma_wait3A_98] : memref<2x4x32x128xf32, #tpu.memory_space<vmem>> -> memref<1x1x32x128xf32, #tpu.memory_space<vmem>>
    %dma_wait3A_100 = tpu.memref_squeeze %dma_wait3A_99 : memref<1x1x32x128xf32, #tpu.memory_space<vmem>> -> memref<32x128xf32, #tpu.memory_space<vmem>>
    %dma_wait3A_101 = arith.constant 0 : i32
    %dma_wait3A_102 = arith.constant 0 : i32
    %dma_wait3A_103 = tpu.memref_slice %arg4[%dma_wait3A_101, %dma_wait3A_102] : memref<32x1000000xf32, #tpu.memory_space<hbm>> -> memref<32x128xf32, #tpu.memory_space<hbm>>
    %dma_wait3A_104 = arith.constant 0 : i32
    %dma_wait3A_105 = arith.constant 0 : i32
    %dma_wait3A_106 = tpu.memref_slice %arg9[%dma_wait3A_95, %dma_wait3A_96, %dma_wait3A_104, %dma_wait3A_105] : memref<2x4x32x128xf32, #tpu.memory_space<vmem>> -> memref<1x1x32x128xf32, #tpu.memory_space<vmem>>
    %dma_wait3A_107 = tpu.memref_squeeze %dma_wait3A_106 : memref<1x1x32x128xf32, #tpu.memory_space<vmem>> -> memref<32x128xf32, #tpu.memory_space<vmem>>
    %dma_wait3A_108 = arith.constant 0 : i32
    %dma_wait3A_109 = arith.constant 0 : i32
    %dma_wait3A_110 = tpu.memref_slice %arg4[%dma_wait3A_108, %dma_wait3A_109] : memref<32x1000000xf32, #tpu.memory_space<hbm>> -> memref<32x128xf32, #tpu.memory_space<hbm>>
    tpu.wait_dma2 semaphore(%arg13 : memref<!tpu.dma_semaphore, #tpu.memory_space<semaphore_mem>>) src(%dma_wait3A_110 : memref<32x128xf32, #tpu.memory_space<hbm>>) dst(%dma_wait3A_107 : memref<32x128xf32, #tpu.memory_space<vmem>>)
    %dma_wait3A_111 = arith.constant 1 : i32
    %dma_wait3A_112 = arith.constant 0 : i32
    %dma_wait3A_113 = arith.constant 0 : i32
    %dma_wait3A_114 = arith.constant 0 : i32
    %dma_wait3A_115 = tpu.memref_slice %arg9[%dma_wait3A_111, %dma_wait3A_112, %dma_wait3A_113, %dma_wait3A_114] : memref<2x4x32x128xf32, #tpu.memory_space<vmem>> -> memref<1x1x32x128xf32, #tpu.memory_space<vmem>>
    %dma_wait3A_116 = tpu.memref_squeeze %dma_wait3A_115 : memref<1x1x32x128xf32, #tpu.memory_space<vmem>> -> memref<32x128xf32, #tpu.memory_space<vmem>>
    %dma_wait3A_117 = arith.constant 0 : i32
    %dma_wait3A_118 = arith.constant 0 : i32
    %dma_wait3A_119 = tpu.memref_slice %arg4[%dma_wait3A_117, %dma_wait3A_118] : memref<32x1000000xf32, #tpu.memory_space<hbm>> -> memref<32x128xf32, #tpu.memory_space<hbm>>
    %dma_wait3A_120 = arith.constant 0 : i32
    %dma_wait3A_121 = arith.constant 0 : i32
    %dma_wait3A_122 = tpu.memref_slice %arg9[%dma_wait3A_111, %dma_wait3A_112, %dma_wait3A_120, %dma_wait3A_121] : memref<2x4x32x128xf32, #tpu.memory_space<vmem>> -> memref<1x1x32x128xf32, #tpu.memory_space<vmem>>
    %dma_wait3A_123 = tpu.memref_squeeze %dma_wait3A_122 : memref<1x1x32x128xf32, #tpu.memory_space<vmem>> -> memref<32x128xf32, #tpu.memory_space<vmem>>
    %dma_wait3A_124 = arith.constant 0 : i32
    %dma_wait3A_125 = arith.constant 0 : i32
    %dma_wait3A_126 = tpu.memref_slice %arg4[%dma_wait3A_124, %dma_wait3A_125] : memref<32x1000000xf32, #tpu.memory_space<hbm>> -> memref<32x128xf32, #tpu.memory_space<hbm>>
    tpu.wait_dma2 semaphore(%arg13 : memref<!tpu.dma_semaphore, #tpu.memory_space<semaphore_mem>>) src(%dma_wait3A_126 : memref<32x128xf32, #tpu.memory_space<hbm>>) dst(%dma_wait3A_123 : memref<32x128xf32, #tpu.memory_space<vmem>>)
    %dma_wait3A_127 = arith.constant 1 : i32
    %dma_wait3A_128 = arith.constant 0 : i32
    %dma_wait3A_129 = arith.constant 0 : i32
    %dma_wait3A_130 = arith.constant 0 : i32
    %dma_wait3A_131 = tpu.memref_slice %arg9[%dma_wait3A_127, %dma_wait3A_128, %dma_wait3A_129, %dma_wait3A_130] : memref<2x4x32x128xf32, #tpu.memory_space<vmem>> -> memref<1x1x32x128xf32, #tpu.memory_space<vmem>>
    %dma_wait3A_132 = tpu.memref_squeeze %dma_wait3A_131 : memref<1x1x32x128xf32, #tpu.memory_space<vmem>> -> memref<32x128xf32, #tpu.memory_space<vmem>>
    %dma_wait3A_133 = arith.constant 0 : i32
    %dma_wait3A_134 = arith.constant 0 : i32
    %dma_wait3A_135 = tpu.memref_slice %arg4[%dma_wait3A_133, %dma_wait3A_134] : memref<32x1000000xf32, #tpu.memory_space<hbm>> -> memref<32x128xf32, #tpu.memory_space<hbm>>
    %dma_wait3A_136 = arith.constant 0 : i32
    %dma_wait3A_137 = arith.constant 0 : i32
    %dma_wait3A_138 = tpu.memref_slice %arg9[%dma_wait3A_127, %dma_wait3A_128, %dma_wait3A_136, %dma_wait3A_137] : memref<2x4x32x128xf32, #tpu.memory_space<vmem>> -> memref<1x1x32x128xf32, #tpu.memory_space<vmem>>
    %dma_wait3A_139 = tpu.memref_squeeze %dma_wait3A_138 : memref<1x1x32x128xf32, #tpu.memory_space<vmem>> -> memref<32x128xf32, #tpu.memory_space<vmem>>
    %dma_wait3A_140 = arith.constant 0 : i32
    %dma_wait3A_141 = arith.constant 0 : i32
    %dma_wait3A_142 = tpu.memref_slice %arg4[%dma_wait3A_140, %dma_wait3A_141] : memref<32x1000000xf32, #tpu.memory_space<hbm>> -> memref<32x128xf32, #tpu.memory_space<hbm>>
    tpu.wait_dma2 semaphore(%arg13 : memref<!tpu.dma_semaphore, #tpu.memory_space<semaphore_mem>>) src(%dma_wait3A_142 : memref<32x128xf32, #tpu.memory_space<hbm>>) dst(%dma_wait3A_139 : memref<32x128xf32, #tpu.memory_space<vmem>>)
    %slice3A = vector.extract_strided_slice %scan3A_14#0 {offsets = [4], sizes = [1], strides = [1]} : vector<16xi32> to vector<1xi32>
    %squeeze3A = vector.extract %slice3A[0] : i32 from vector<1xi32>
    %and3A = arith.constant 127 : i32
    %and3A_143 = arith.andi %squeeze3A, %and3A : i32
    %broadcast_in_dim3A_144 = vector.broadcast %and3A_143 : i32 to vector<16xi32>
    %slice3A_145 = vector.extract_strided_slice %scan3A_14#1 {offsets = [4], sizes = [1], strides = [1]} : vector<16xi32> to vector<1xi32>
    %squeeze3A_146 = vector.extract %slice3A_145[0] : i32 from vector<1xi32>
    %and3A_147 = arith.constant 127 : i32
    %and3A_148 = arith.andi %squeeze3A_146, %and3A_147 : i32
    %broadcast_in_dim3A_149 = vector.broadcast %and3A_148 : i32 to vector<16xi32>
    %gather3A = arith.constant 1 : i32
    %gather3A_150 = arith.constant 0 : i32
    %gather3A_151 = arith.constant 0 : i32
    %gather3A_152 = arith.constant 0 : i32
    %gather3A_153 = tpu.memref_slice %arg9[%gather3A, %gather3A_150, %gather3A_151, %gather3A_152] : memref<2x4x32x128xf32, #tpu.memory_space<vmem>> -> memref<1x1x32x128xf32, #tpu.memory_space<vmem>>
    %gather3A_154 = tpu.memref_squeeze %gather3A_153 : memref<1x1x32x128xf32, #tpu.memory_space<vmem>> -> memref<32x128xf32, #tpu.memory_space<vmem>>
    %gather3A_155 = tpu.vector_load_idx %gather3A_154[%iota3A, %broadcast_in_dim3A_144] : memref<32x128xf32, #tpu.memory_space<vmem>>[vector<16xi32>, vector<16xi32>], vector<16xf32>,
    %gather3A_156 = arith.constant 1 : i32
    %gather3A_157 = arith.constant 0 : i32
    %gather3A_158 = arith.constant 0 : i32
    %gather3A_159 = arith.constant 0 : i32
    %gather3A_160 = tpu.memref_slice %arg9[%gather3A_156, %gather3A_157, %gather3A_158, %gather3A_159] : memref<2x4x32x128xf32, #tpu.memory_space<vmem>> -> memref<1x1x32x128xf32, #tpu.memory_space<vmem>>
    %gather3A_161 = tpu.memref_squeeze %gather3A_160 : memref<1x1x32x128xf32, #tpu.memory_space<vmem>> -> memref<32x128xf32, #tpu.memory_space<vmem>>
    %gather3A_162 = tpu.vector_load_idx %gather3A_161[%add3A_5, %broadcast_in_dim3A_144] : memref<32x128xf32, #tpu.memory_space<vmem>>[vector<16xi32>, vector<16xi32>], vector<16xf32>,
    %gather3A_163 = arith.constant 1 : i32
    %gather3A_164 = arith.constant 0 : i32
    %gather3A_165 = arith.constant 0 : i32
    %gather3A_166 = arith.constant 0 : i32
    %gather3A_167 = tpu.memref_slice %arg10[%gather3A_163, %gather3A_164, %gather3A_165, %gather3A_166] : memref<2x4x32x128xf32, #tpu.memory_space<vmem>> -> memref<1x1x32x128xf32, #tpu.memory_space<vmem>>
    %gather3A_168 = tpu.memref_squeeze %gather3A_167 : memref<1x1x32x128xf32, #tpu.memory_space<vmem>> -> memref<32x128xf32, #tpu.memory_space<vmem>>
    %gather3A_169 = tpu.vector_load_idx %gather3A_168[%iota3A, %broadcast_in_dim3A_149] : memref<32x128xf32, #tpu.memory_space<vmem>>[vector<16xi32>, vector<16xi32>], vector<16xf32>,
    %gather3A_170 = arith.constant 1 : i32
    %gather3A_171 = arith.constant 0 : i32
    %gather3A_172 = arith.constant 0 : i32
    %gather3A_173 = arith.constant 0 : i32
    %gather3A_174 = tpu.memref_slice %arg10[%gather3A_170, %gather3A_171, %gather3A_172, %gather3A_173] : memref<2x4x32x128xf32, #tpu.memory_space<vmem>> -> memref<1x1x32x128xf32, #tpu.memory_space<vmem>>
    %gather3A_175 = tpu.memref_squeeze %gather3A_174 : memref<1x1x32x128xf32, #tpu.memory_space<vmem>> -> memref<32x128xf32, #tpu.memory_space<vmem>>
    %gather3A_176 = tpu.vector_load_idx %gather3A_175[%add3A_5, %broadcast_in_dim3A_149] : memref<32x128xf32, #tpu.memory_space<vmem>>[vector<16xi32>, vector<16xi32>], vector<16xf32>,
    %mul3A_177 = arith.mulf %gather3A_155, %gather3A_169 : vector<16xf32>
    %mul3A_178 = arith.mulf %gather3A_162, %gather3A_176 : vector<16xf32>
    %add3A_179 = arith.addf %mul3A_177, %mul3A_178 : vector<16xf32>
    %reduce_sum3A = arith.constant true
    %reduce_sum3A_180 = vector.broadcast %reduce_sum3A : i1 to vector<16xi1>
    %reduce_sum3A_181 = tpu.scan <sum>, %add3A_179 masked %reduce_sum3A_180 : vector<16xf32>, vector<16xi1> -> vector<16xf32>
    %reduce_sum3A_182 = vector.extract %reduce_sum3A_181[15] : f32 from vector<16xf32>
    %eq3A = arith.constant 12 : i32
    %eq3A_183 = vector.broadcast %eq3A : i32 to vector<16xi32>
    %eq3A_184 = arith.cmpi eq, %iota3A, %eq3A_183 : vector<16xi32>
    %broadcast_in_dim3A_185 = vector.broadcast %reduce_sum3A_182 : f32 to vector<16xf32>
    %select_n3A = arith.select %eq3A_184, %broadcast_in_dim3A_185, %scan3A_14#2 : vector<16xi1>, vector<16xf32>
    %slice3A_186 = vector.extract_strided_slice %scan3A_14#0 {offsets = [5], sizes = [1], strides = [1]} : vector<16xi32> to vector<1xi32>
    %squeeze3A_187 = vector.extract %slice3A_186[0] : i32 from vector<1xi32>
    %and3A_188 = arith.constant 127 : i32
    %and3A_189 = arith.andi %squeeze3A_187, %and3A_188 : i32
    %broadcast_in_dim3A_190 = vector.broadcast %and3A_189 : i32 to vector<16xi32>
    %slice3A_191 = vector.extract_strided_slice %scan3A_14#1 {offsets = [5], sizes = [1], strides = [1]} : vector<16xi32> to vector<1xi32>
    %squeeze3A_192 = vector.extract %slice3A_191[0] : i32 from vector<1xi32>
    %and3A_193 = arith.constant 127 : i32
    %and3A_194 = arith.andi %squeeze3A_192, %and3A_193 : i32
    %broadcast_in_dim3A_195 = vector.broadcast %and3A_194 : i32 to vector<16xi32>
    %gather3A_196 = arith.constant 1 : i32
    %gather3A_197 = arith.constant 1 : i32
    %gather3A_198 = arith.constant 0 : i32
    %gather3A_199 = arith.constant 0 : i32
    %gather3A_200 = tpu.memref_slice %arg9[%gather3A_196, %gather3A_197, %gather3A_198, %gather3A_199] : memref<2x4x32x128xf32, #tpu.memory_space<vmem>> -> memref<1x1x32x128xf32, #tpu.memory_space<vmem>>
    %gather3A_201 = tpu.memref_squeeze %gather3A_200 : memref<1x1x32x128xf32, #tpu.memory_space<vmem>> -> memref<32x128xf32, #tpu.memory_space<vmem>>
    %gather3A_202 = tpu.vector_load_idx %gather3A_201[%iota3A, %broadcast_in_dim3A_190] : memref<32x128xf32, #tpu.memory_space<vmem>>[vector<16xi32>, vector<16xi32>], vector<16xf32>,
    %gather3A_203 = arith.constant 1 : i32
    %gather3A_204 = arith.constant 1 : i32
    %gather3A_205 = arith.constant 0 : i32
    %gather3A_206 = arith.constant 0 : i32
    %gather3A_207 = tpu.memref_slice %arg9[%gather3A_203, %gather3A_204, %gather3A_205, %gather3A_206] : memref<2x4x32x128xf32, #tpu.memory_space<vmem>> -> memref<1x1x32x128xf32, #tpu.memory_space<vmem>>
    %gather3A_208 = tpu.memref_squeeze %gather3A_207 : memref<1x1x32x128xf32, #tpu.memory_space<vmem>> -> memref<32x128xf32, #tpu.memory_space<vmem>>
    %gather3A_209 = tpu.vector_load_idx %gather3A_208[%add3A_5, %broadcast_in_dim3A_190] : memref<32x128xf32, #tpu.memory_space<vmem>>[vector<16xi32>, vector<16xi32>], vector<16xf32>,
    %gather3A_210 = arith.constant 1 : i32
    %gather3A_211 = arith.constant 1 : i32
    %gather3A_212 = arith.constant 0 : i32
    %gather3A_213 = arith.constant 0 : i32
    %gather3A_214 = tpu.memref_slice %arg10[%gather3A_210, %gather3A_211, %gather3A_212, %gather3A_213] : memref<2x4x32x128xf32, #tpu.memory_space<vmem>> -> memref<1x1x32x128xf32, #tpu.memory_space<vmem>>
    %gather3A_215 = tpu.memref_squeeze %gather3A_214 : memref<1x1x32x128xf32, #tpu.memory_space<vmem>> -> memref<32x128xf32, #tpu.memory_space<vmem>>
    %gather3A_216 = tpu.vector_load_idx %gather3A_215[%iota3A, %broadcast_in_dim3A_195] : memref<32x128xf32, #tpu.memory_space<vmem>>[vector<16xi32>, vector<16xi32>], vector<16xf32>,
    %gather3A_217 = arith.constant 1 : i32
    %gather3A_218 = arith.constant 1 : i32
    %gather3A_219 = arith.constant 0 : i32
    %gather3A_220 = arith.constant 0 : i32
    %gather3A_221 = tpu.memref_slice %arg10[%gather3A_217, %gather3A_218, %gather3A_219, %gather3A_220] : memref<2x4x32x128xf32, #tpu.memory_space<vmem>> -> memref<1x1x32x128xf32, #tpu.memory_space<vmem>>
    %gather3A_222 = tpu.memref_squeeze %gather3A_221 : memref<1x1x32x128xf32, #tpu.memory_space<vmem>> -> memref<32x128xf32, #tpu.memory_space<vmem>>
    %gather3A_223 = tpu.vector_load_idx %gather3A_222[%add3A_5, %broadcast_in_dim3A_195] : memref<32x128xf32, #tpu.memory_space<vmem>>[vector<16xi32>, vector<16xi32>], vector<16xf32>,
    %mul3A_224 = arith.mulf %gather3A_202, %gather3A_216 : vector<16xf32>
    %mul3A_225 = arith.mulf %gather3A_209, %gather3A_223 : vector<16xf32>
    %add3A_226 = arith.addf %mul3A_224, %mul3A_225 : vector<16xf32>
    %reduce_sum3A_227 = arith.constant true
    %reduce_sum3A_228 = vector.broadcast %reduce_sum3A_227 : i1 to vector<16xi1>
    %reduce_sum3A_229 = tpu.scan <sum>, %add3A_226 masked %reduce_sum3A_228 : vector<16xf32>, vector<16xi1> -> vector<16xf32>
    %reduce_sum3A_230 = vector.extract %reduce_sum3A_229[15] : f32 from vector<16xf32>
    %eq3A_231 = arith.constant 13 : i32
    %eq3A_232 = vector.broadcast %eq3A_231 : i32 to vector<16xi32>
    %eq3A_233 = arith.cmpi eq, %iota3A, %eq3A_232 : vector<16xi32>
    %broadcast_in_dim3A_234 = vector.broadcast %reduce_sum3A_230 : f32 to vector<16xf32>
    %select_n3A_235 = arith.select %eq3A_233, %broadcast_in_dim3A_234, %select_n3A : vector<16xi1>, vector<16xf32>
    %slice3A_236 = vector.extract_strided_slice %scan3A_14#0 {offsets = [6], sizes = [1], strides = [1]} : vector<16xi32> to vector<1xi32>
    %squeeze3A_237 = vector.extract %slice3A_236[0] : i32 from vector<1xi32>
    %and3A_238 = arith.constant 127 : i32
    %and3A_239 = arith.andi %squeeze3A_237, %and3A_238 : i32
    %broadcast_in_dim3A_240 = vector.broadcast %and3A_239 : i32 to vector<16xi32>
    %slice3A_241 = vector.extract_strided_slice %scan3A_14#1 {offsets = [6], sizes = [1], strides = [1]} : vector<16xi32> to vector<1xi32>
    %squeeze3A_242 = vector.extract %slice3A_241[0] : i32 from vector<1xi32>
    %and3A_243 = arith.constant 127 : i32
    %and3A_244 = arith.andi %squeeze3A_242, %and3A_243 : i32
    %broadcast_in_dim3A_245 = vector.broadcast %and3A_244 : i32 to vector<16xi32>
    %gather3A_246 = arith.constant 1 : i32
    %gather3A_247 = arith.constant 2 : i32
    %gather3A_248 = arith.constant 0 : i32
    %gather3A_249 = arith.constant 0 : i32
    %gather3A_250 = tpu.memref_slice %arg9[%gather3A_246, %gather3A_247, %gather3A_248, %gather3A_249] : memref<2x4x32x128xf32, #tpu.memory_space<vmem>> -> memref<1x1x32x128xf32, #tpu.memory_space<vmem>>
    %gather3A_251 = tpu.memref_squeeze %gather3A_250 : memref<1x1x32x128xf32, #tpu.memory_space<vmem>> -> memref<32x128xf32, #tpu.memory_space<vmem>>
    %gather3A_252 = tpu.vector_load_idx %gather3A_251[%iota3A, %broadcast_in_dim3A_240] : memref<32x128xf32, #tpu.memory_space<vmem>>[vector<16xi32>, vector<16xi32>], vector<16xf32>,
    %gather3A_253 = arith.constant 1 : i32
    %gather3A_254 = arith.constant 2 : i32
    %gather3A_255 = arith.constant 0 : i32
    %gather3A_256 = arith.constant 0 : i32
    %gather3A_257 = tpu.memref_slice %arg9[%gather3A_253, %gather3A_254, %gather3A_255, %gather3A_256] : memref<2x4x32x128xf32, #tpu.memory_space<vmem>> -> memref<1x1x32x128xf32, #tpu.memory_space<vmem>>
    %gather3A_258 = tpu.memref_squeeze %gather3A_257 : memref<1x1x32x128xf32, #tpu.memory_space<vmem>> -> memref<32x128xf32, #tpu.memory_space<vmem>>
    %gather3A_259 = tpu.vector_load_idx %gather3A_258[%add3A_5, %broadcast_in_dim3A_240] : memref<32x128xf32, #tpu.memory_space<vmem>>[vector<16xi32>, vector<16xi32>], vector<16xf32>,
    %gather3A_260 = arith.constant 1 : i32
    %gather3A_261 = arith.constant 2 : i32
    %gather3A_262 = arith.constant 0 : i32
    %gather3A_263 = arith.constant 0 : i32
    %gather3A_264 = tpu.memref_slice %arg10[%gather3A_260, %gather3A_261, %gather3A_262, %gather3A_263] : memref<2x4x32x128xf32, #tpu.memory_space<vmem>> -> memref<1x1x32x128xf32, #tpu.memory_space<vmem>>
    %gather3A_265 = tpu.memref_squeeze %gather3A_264 : memref<1x1x32x128xf32, #tpu.memory_space<vmem>> -> memref<32x128xf32, #tpu.memory_space<vmem>>
    %gather3A_266 = tpu.vector_load_idx %gather3A_265[%iota3A, %broadcast_in_dim3A_245] : memref<32x128xf32, #tpu.memory_space<vmem>>[vector<16xi32>, vector<16xi32>], vector<16xf32>,
    %gather3A_267 = arith.constant 1 : i32
    %gather3A_268 = arith.constant 2 : i32
    %gather3A_269 = arith.constant 0 : i32
    %gather3A_270 = arith.constant 0 : i32
    %gather3A_271 = tpu.memref_slice %arg10[%gather3A_267, %gather3A_268, %gather3A_269, %gather3A_270] : memref<2x4x32x128xf32, #tpu.memory_space<vmem>> -> memref<1x1x32x128xf32, #tpu.memory_space<vmem>>
    %gather3A_272 = tpu.memref_squeeze %gather3A_271 : memref<1x1x32x128xf32, #tpu.memory_space<vmem>> -> memref<32x128xf32, #tpu.memory_space<vmem>>
    %gather3A_273 = tpu.vector_load_idx %gather3A_272[%add3A_5, %broadcast_in_dim3A_245] : memref<32x128xf32, #tpu.memory_space<vmem>>[vector<16xi32>, vector<16xi32>], vector<16xf32>,
    %mul3A_274 = arith.mulf %gather3A_252, %gather3A_266 : vector<16xf32>
    %mul3A_275 = arith.mulf %gather3A_259, %gather3A_273 : vector<16xf32>
    %add3A_276 = arith.addf %mul3A_274, %mul3A_275 : vector<16xf32>
    %reduce_sum3A_277 = arith.constant true
    %reduce_sum3A_278 = vector.broadcast %reduce_sum3A_277 : i1 to vector<16xi1>
    %reduce_sum3A_279 = tpu.scan <sum>, %add3A_276 masked %reduce_sum3A_278 : vector<16xf32>, vector<16xi1> -> vector<16xf32>
    %reduce_sum3A_280 = vector.extract %reduce_sum3A_279[15] : f32 from vector<16xf32>
    %eq3A_281 = arith.constant 14 : i32
    %eq3A_282 = vector.broadcast %eq3A_281 : i32 to vector<16xi32>
    %eq3A_283 = arith.cmpi eq, %iota3A, %eq3A_282 : vector<16xi32>
    %broadcast_in_dim3A_284 = vector.broadcast %reduce_sum3A_280 : f32 to vector<16xf32>
    %select_n3A_285 = arith.select %eq3A_283, %broadcast_in_dim3A_284, %select_n3A_235 : vector<16xi1>, vector<16xf32>
    %slice3A_286 = vector.extract_strided_slice %scan3A_14#0 {offsets = [7], sizes = [1], strides = [1]} : vector<16xi32> to vector<1xi32>
    %squeeze3A_287 = vector.extract %slice3A_286[0] : i32 from vector<1xi32>
    %and3A_288 = arith.constant 127 : i32
    %and3A_289 = arith.andi %squeeze3A_287, %and3A_288 : i32
    %broadcast_in_dim3A_290 = vector.broadcast %and3A_289 : i32 to vector<16xi32>
    %slice3A_291 = vector.extract_strided_slice %scan3A_14#1 {offsets = [7], sizes = [1], strides = [1]} : vector<16xi32> to vector<1xi32>
    %squeeze3A_292 = vector.extract %slice3A_291[0] : i32 from vector<1xi32>
    %and3A_293 = arith.constant 127 : i32
    %and3A_294 = arith.andi %squeeze3A_292, %and3A_293 : i32
    %broadcast_in_dim3A_295 = vector.broadcast %and3A_294 : i32 to vector<16xi32>
    %gather3A_296 = arith.constant 1 : i32
    %gather3A_297 = arith.constant 3 : i32
    %gather3A_298 = arith.constant 0 : i32
    %gather3A_299 = arith.constant 0 : i32
    %gather3A_300 = tpu.memref_slice %arg9[%gather3A_296, %gather3A_297, %gather3A_298, %gather3A_299] : memref<2x4x32x128xf32, #tpu.memory_space<vmem>> -> memref<1x1x32x128xf32, #tpu.memory_space<vmem>>
    %gather3A_301 = tpu.memref_squeeze %gather3A_300 : memref<1x1x32x128xf32, #tpu.memory_space<vmem>> -> memref<32x128xf32, #tpu.memory_space<vmem>>
    %gather3A_302 = tpu.vector_load_idx %gather3A_301[%iota3A, %broadcast_in_dim3A_290] : memref<32x128xf32, #tpu.memory_space<vmem>>[vector<16xi32>, vector<16xi32>], vector<16xf32>,
    %gather3A_303 = arith.constant 1 : i32
    %gather3A_304 = arith.constant 3 : i32
    %gather3A_305 = arith.constant 0 : i32
    %gather3A_306 = arith.constant 0 : i32
    %gather3A_307 = tpu.memref_slice %arg9[%gather3A_303, %gather3A_304, %gather3A_305, %gather3A_306] : memref<2x4x32x128xf32, #tpu.memory_space<vmem>> -> memref<1x1x32x128xf32, #tpu.memory_space<vmem>>
    %gather3A_308 = tpu.memref_squeeze %gather3A_307 : memref<1x1x32x128xf32, #tpu.memory_space<vmem>> -> memref<32x128xf32, #tpu.memory_space<vmem>>
    %gather3A_309 = tpu.vector_load_idx %gather3A_308[%add3A_5, %broadcast_in_dim3A_290] : memref<32x128xf32, #tpu.memory_space<vmem>>[vector<16xi32>, vector<16xi32>], vector<16xf32>,
    %gather3A_310 = arith.constant 1 : i32
    %gather3A_311 = arith.constant 3 : i32
    %gather3A_312 = arith.constant 0 : i32
    %gather3A_313 = arith.constant 0 : i32
    %gather3A_314 = tpu.memref_slice %arg10[%gather3A_310, %gather3A_311, %gather3A_312, %gather3A_313] : memref<2x4x32x128xf32, #tpu.memory_space<vmem>> -> memref<1x1x32x128xf32, #tpu.memory_space<vmem>>
    %gather3A_315 = tpu.memref_squeeze %gather3A_314 : memref<1x1x32x128xf32, #tpu.memory_space<vmem>> -> memref<32x128xf32, #tpu.memory_space<vmem>>
    %gather3A_316 = tpu.vector_load_idx %gather3A_315[%iota3A, %broadcast_in_dim3A_295] : memref<32x128xf32, #tpu.memory_space<vmem>>[vector<16xi32>, vector<16xi32>], vector<16xf32>,
    %gather3A_317 = arith.constant 1 : i32
    %gather3A_318 = arith.constant 3 : i32
    %gather3A_319 = arith.constant 0 : i32
    %gather3A_320 = arith.constant 0 : i32
    %gather3A_321 = tpu.memref_slice %arg10[%gather3A_317, %gather3A_318, %gather3A_319, %gather3A_320] : memref<2x4x32x128xf32, #tpu.memory_space<vmem>> -> memref<1x1x32x128xf32, #tpu.memory_space<vmem>>
    %gather3A_322 = tpu.memref_squeeze %gather3A_321 : memref<1x1x32x128xf32, #tpu.memory_space<vmem>> -> memref<32x128xf32, #tpu.memory_space<vmem>>
    %gather3A_323 = tpu.vector_load_idx %gather3A_322[%add3A_5, %broadcast_in_dim3A_295] : memref<32x128xf32, #tpu.memory_space<vmem>>[vector<16xi32>, vector<16xi32>], vector<16xf32>,
    %mul3A_324 = arith.mulf %gather3A_302, %gather3A_316 : vector<16xf32>
    %mul3A_325 = arith.mulf %gather3A_309, %gather3A_323 : vector<16xf32>
    %add3A_326 = arith.addf %mul3A_324, %mul3A_325 : vector<16xf32>
    %reduce_sum3A_327 = arith.constant true
    %reduce_sum3A_328 = vector.broadcast %reduce_sum3A_327 : i1 to vector<16xi1>
    %reduce_sum3A_329 = tpu.scan <sum>, %add3A_326 masked %reduce_sum3A_328 : vector<16xf32>, vector<16xi1> -> vector<16xf32>
    %reduce_sum3A_330 = vector.extract %reduce_sum3A_329[15] : f32 from vector<16xf32>
    %eq3A_331 = arith.constant 15 : i32
    %eq3A_332 = vector.broadcast %eq3A_331 : i32 to vector<16xi32>
    %eq3A_333 = arith.cmpi eq, %iota3A, %eq3A_332 : vector<16xi32>
    %broadcast_in_dim3A_334 = vector.broadcast %reduce_sum3A_330 : f32 to vector<16xf32>
    %select_n3A_335 = arith.select %eq3A_333, %broadcast_in_dim3A_334, %select_n3A_285 : vector<16xi1>, vector<16xf32>
    %swap3A = arith.constant 496 : index
    %swap3A_336 = tpu.vector_load %arg11[%swap3A] {strides = array<i32>} : memref<512xf32, #tpu.memory_space<vmem>>, vector<16xf32>,
    tpu.vector_store %arg11[%swap3A], %select_n3A_335 {strides = array<i32>} : memref<512xf32, #tpu.memory_space<vmem>>, vector<16xf32>,
    "tpu.region"() ({
      %run_scoped3A = tpu.sem_alloc : memref<!tpu.dma_semaphore, #tpu.memory_space<semaphore_mem>>
      %dma_start3A = tpu.memref_slice %arg6[%mul3A_2] : memref<16384xf32, #tpu.memory_space<hbm>> -> memref<512xf32, #tpu.memory_space<hbm>>
      %dma_start3A_337 = tpu.memref_slice %arg6[%mul3A_2] : memref<16384xf32, #tpu.memory_space<hbm>> -> memref<512xf32, #tpu.memory_space<hbm>>
      tpu.enqueue_dma source(%arg11 : memref<512xf32, #tpu.memory_space<vmem>>) target(%dma_start3A_337 : memref<512xf32, #tpu.memory_space<hbm>>) target_semaphore(%run_scoped3A : memref<!tpu.dma_semaphore, #tpu.memory_space<semaphore_mem>>)
      %dma_wait3A_338 = tpu.memref_slice %arg6[%mul3A_2] : memref<16384xf32, #tpu.memory_space<hbm>> -> memref<512xf32, #tpu.memory_space<hbm>>
      %dma_wait3A_339 = tpu.memref_slice %arg6[%mul3A_2] : memref<16384xf32, #tpu.memory_space<hbm>> -> memref<512xf32, #tpu.memory_space<hbm>>
      tpu.wait_dma2 semaphore(%run_scoped3A : memref<!tpu.dma_semaphore, #tpu.memory_space<semaphore_mem>>) src(%arg11 : memref<512xf32, #tpu.memory_space<vmem>>) dst(%dma_wait3A_339 : memref<512xf32, #tpu.memory_space<hbm>>)
      tpu.yield
    }) : () -> ()
    return
  }
}

</mosaic_0001>

<sc_bundles>
// kernel: kernel.3.cloned.1.call-start
scs
__scs_entry_jumppad:
0x0: {  	(pc) =	sbr.rel $0x88, $3  }
0x1: {  	(tag) =	ssettag $0x0;
	lr =	simm.s32 $0x1  }
0x2: {  	[smem:$0x3F9D] =	sst lr;
	_ =	strace $0xD0000000  }
0x3: {  	_ = 	snop  }
0x4: {  	_ = 	snop  }
0x5: {  	_ = 	snop  }
0x6: {  	_ = 	snop  }
0x7: {  	_ = 	snop  }
__scs_overlays_trampoline_lowered:
0x8: {  	[smem:$0x3FAC] =	sst s0  }
0x9: {  	[smem:$0x3FAD] =	sst s1  }
0xa: {  	[smem:$0x3FAE] =	sst s2  }
0xb: {  	[smem:$0x3FAF] =	sst s3  }
0xc: {  	[smem:$0x3FB0] =	sst s4  }
0xd: {  	[smem:$0x3FB1] =	sst s5  }
0xe: {  	[smem:$0x3FB2] =	sst s6  }
0xf: {  	[smem:$0x3FB3] =	sst s7  }
0x10: {  	[smem:$0x3FB4] =	sst s8  }
0x11: {  	[smem:$0x3FB5] =	sst s9;
	s0 =	simm.s32 @!p0 $0x0  }
0x12: {  	s1 =	sld [smem:$0x3F9B];
	s0 =	simm.s32 @p0 $0x1  }
0x13: {  	[smem:$0x3FB6] =	sst s0;
	s0 =	simm.s32 @!p1 $0x0  }
0x14: {  	s2 =	sld [smem:$0x3F9A];
	s0 =	simm.s32 @p1 $0x1  }
0x15: {  	[smem:$0x3FB7] =	sst s0;
	s0 =	simm.s32 @!p2 $0x0  }
0x16: {  	s3 =	sld [smem:$0x3FDB];
	s0 =	simm.s32 @p2 $0x1  }
0x17: {  	s4 =	simm.s32 $0x1BF5;
	[smem:$0x3FB9] =	sst s0  }
0x18: {  	s0 =	sld [smem:$0x3F9C];
	_ =	swait.ge [sflag:s4], $0x0  }
0x19: {  	s7 =	sld [smem:$0x3F9D]  }
0x1a: {  	s8 =	sadd.s32 $0xFFFFE003, lr  }
0x1b: {  	s9 =	sadd.s32 $0xFFFFFEF7, lr;
	s5 =	simm.s32 $0xFFFFFFFF;
	p2 =	slt.u32 s8, $0xFFFFF086  }
0x1c: {  	p1 =	slt.u32 s9, $0xF7A;
	s5 =	simm.s32 @!p2 $0x0  }
0x1d: {  	s5 =	simm.s32 @p1 $0x1;
	p0 =	seq.s32 s7, s2  }
0x1e: {  	s7 =	smul.u32 @!p0 $0xF7A, s2;
	p2 =	seq.s32 @!p0 s5, $0x0  }
0x1f: {  	s9 =	smul.u32 $0xF7A, s1;
	s8 =	simm.s32 @!p0 $0x1BF5;
	p2 =	por !p2, p0  }
0x20: {  	[sflag:s8] =	ssyncset.s32 @!p0 $0xFFFFF086;
	s6 =	sadd.s32 @!p0 s3, s7;
	s7 =	simm.s32 @!p0 $0x108  }
0x21: {  	s3 =	sadd.s32 s3, s9;
	s6 =	sadd.s32 @!p0 $0x88, s6;
	s7 =	simm.s32 @p2 $0x1082  }
0x22: {  	[simem:s7], [sflag:s8] =	dma.local @!p0 [hbm:s6], $0xF7A  }
0x23: {  	s9 =	sor.u32 $0xD0000000, s2;
	s6 =	simm.s32 $0x108;
	_ =	swait.ge @!p0 [sflag:s8], $0x0  }
0x24: {  	s3 =	sadd.s32 $0x88, s3;
	s6 =	simm.s32 @!p1 $0x1082;
	[sflag:s4] =	ssyncset.s32 $0xFFFFF086  }
0x25: {  	[simem:s6], [sflag:s4] =	dma.local [hbm:s3], $0xF7A  }
0x26: {  	[smem:$0x3F9D] =	sst s1;
	(tag) =	ssettag s2;
	_ =	strace s9  }
0x27: {  	s1 =	sld [smem:$0x3FAD]  }
0x28: {  	s2 =	sld [smem:$0x3FAE]  }
0x29: {  	s4 =	sld [smem:$0x3FB0]  }
0x2a: {  	p0 =	seq.s32 s5, $0x0;
	s5 =	sld [smem:$0x3FB1]  }
0x2b: {  	s6 =	sld [smem:$0x3FB2]  }
0x2c: {  	s7 =	sld [smem:$0x3FB3]  }
0x2d: {  	s3 =	simm.s32 $0x108;
	s8 =	sld [smem:$0x3FB4]  }
0x2e: {  	s3 =	simm.s32 @!p0 $0x1082;
	s9 =	sld [smem:$0x3FB5]  }
0x2f: {  	lr =	sadd.s32 s0, s3;
	s0 =	sld [smem:$0x3FAC]  }
0x30: {  	s3 =	sld [smem:$0x3FAF]  }
0x31: {  	[smem:$0x3FB8] =	sst s10  }
0x32: {  	s10 =	sld [smem:$0x3FB6];
	_ =	sdelay $0x3  }
0x33: {  	p0 =	seq.s32 s10, $0x1;
	s10 =	sld [smem:$0x3FB8];
	_ =	sdelay $0x3  }
0x34: {  	[smem:$0x3FB8] =	sst s10  }
0x35: {  	s10 =	sld [smem:$0x3FB7];
	_ =	sdelay $0x3  }
0x36: {  	p1 =	seq.s32 s10, $0x1;
	s10 =	sld [smem:$0x3FB8];
	_ =	sdelay $0x3  }
0x37: {  	[smem:$0x3FB8] =	sst s10  }
0x38: {  	s10 =	sld [smem:$0x3FB9]  }
0x39: {  	_ = 	snop;
	(pc) =	sbr.ind lr, $3  }
0x3a: {  	_ = 	snop  }
0x3b: {  	_ = 	snop  }
0x3c: {  	p2 =	seq.s32 s10, $0x1;
	s10 =	sld [smem:$0x3FB8]  }
0x3d: {  	_ =	shalt  }
0x3e: {  	_ =	shalt  }
0x3f: {  	_ =	shalt  }
0x40: {  	_ =	shalt  }
0x41: {  	_ =	shalt  }
0x42: {  	_ =	shalt  }
0x43: {  	_ =	shalt  }
0x44: {  	_ =	shalt  }
0x45: {  	_ =	shalt  }
0x46: {  	_ =	shalt  }
0x47: {  	_ =	shalt  }
0x48: {  	_ =	shalt  }
0x49: {  	_ =	shalt  }
0x4a: {  	_ =	shalt  }
0x4b: {  	_ =	shalt  }
0x4c: {  	_ =	shalt  }
0x4d: {  	_ =	shalt  }
0x4e: {  	_ =	shalt  }
0x4f: {  	_ =	shalt  }
0x50: {  	_ =	shalt  }
0x51: {  	_ =	shalt  }
0x52: {  	_ =	shalt  }
0x53: {  	_ =	shalt  }
0x54: {  	_ =	shalt  }
0x55: {  	_ =	shalt  }
0x56: {  	_ =	shalt  }
0x57: {  	_ =	shalt  }
0x58: {  	_ =	shalt  }
0x59: {  	_ =	shalt  }
0x5a: {  	_ =	shalt  }
0x5b: {  	_ =	shalt  }
0x5c: {  	_ =	shalt  }
0x5d: {  	_ =	shalt  }
0x5e: {  	_ =	shalt  }
0x5f: {  	_ =	shalt  }
0x60: {  	_ =	shalt  }
0x61: {  	_ =	shalt  }
0x62: {  	_ =	shalt  }
0x63: {  	_ =	shalt  }
0x64: {  	_ =	shalt  }
0x65: {  	_ =	shalt  }
0x66: {  	_ =	shalt  }
0x67: {  	_ =	shalt  }
0x68: {  	_ =	shalt  }
0x69: {  	_ =	shalt  }
0x6a: {  	_ =	shalt  }
0x6b: {  	_ =	shalt  }
0x6c: {  	_ =	shalt  }
0x6d: {  	_ =	shalt  }
0x6e: {  	_ =	shalt  }
0x6f: {  	_ =	shalt  }
0x70: {  	_ =	shalt  }
0x71: {  	_ =	shalt  }
0x72: {  	_ =	shalt  }
0x73: {  	_ =	shalt  }
0x74: {  	_ =	shalt  }
0x75: {  	_ =	shalt  }
0x76: {  	_ =	shalt  }
0x77: {  	_ =	shalt  }
0x78: {  	_ =	shalt  }
0x79: {  	_ =	shalt  }
0x7a: {  	_ =	shalt  }
0x7b: {  	_ =	shalt  }
0x7c: {  	_ =	shalt  }
0x7d: {  	_ =	shalt  }
0x7e: {  	_ =	shalt  }
0x7f: {  	_ =	shalt  }
0x80: {  	_ =	shalt  }
0x81: {  	_ =	shalt  }
0x82: {  	_ =	shalt  }
0x83: {  	_ =	shalt  }
0x84: {  	_ =	shalt  }
0x85: {  	_ =	shalt  }
0x86: {  	_ =	shalt  }
0x87: {  	_ =	shalt  }
.Lfunc_end0:
.L_simem_size_0:
called_computation_lowered:
.L_overlay_start_0:
0x88: {  	s2 =	sld [smem:$0x3FD9]  }
0x89: {  	s3 =	sld [smem:$0x3FFE];
	_ =	sdelay $0x1  }
0x8a: {  	s1 =	srdreg.scid  }
0x8b: {  	s0 =	sand.u32 $0x1, s1  }
0x8c: {  	s18 =	sshll.u32 s0, $0xA;
	s2 =	sadd.s32 s3, s2  }
0x8d: {  	s2 =	sadd.s32 s2, s18  }
0x8e: {  	[smem:$0x3FC4] =	sst s2  }
0x8f: {  	_ = 	snop  }
0x90: {  	s2 =	sld [smem:$0x3FC9]  }
0x91: {  	s19 =	sld [smem:$0x3FC8]  }
0x92: {  	s4 =	sld [smem:$0x3FC7]  }
0x93: {  	s5 =	sld [smem:$0x3FC6]  }
0x94: {  	s6 =	sld [smem:$0x3FD0];
	(tm) =	ssettm $0x1  }
0x95: {  	s7 =	sld [smem:$0x3FFB];
	_ =	sdelay $0x3  }
0x96: {  	_ =	strace s7  }
0x97: {  	s7 =	sld [smem:$0x3FFC];
	_ =	sdelay $0x3  }
0x98: {  	_ =	strace s7  }
0x99: {  	s7 =	sld [smem:$0x3FFD];
	_ =	sdelay $0x3  }
0x9a: {  	_ =	strace s7  }
0x9b: {  	_ =	strace $0x8FFFFFFF  }
0x9c: {  	s20 =	sld [smem:$0x3FDB];
	_ =	sdelay $0x1  }
0x9d: {  	s8 =	simm.s32 $_scs_section_size  }
0x9e: {  	s9 =	simm.s32 $_size__tile_overlayer_lowered;
	s10 =	simm.s32 $_tile_overlayer_lowered  }
0x9f: {  	s23 =	simm.s32 $0x1BFF;
	s22 =	sshll.u32 s10, $0x1;
	s7 =	sadd.s32 s8, s20  }
0xa0: {  	s11 =	simm.s32 $0x0;
	s21 =	sshll.u32 s9, $0x1;
	s9 =	sadd.s32 s22, s7  }
0xa1: {  	[timem:s11], [sflag:s23] =	dma.local [hbm:s9], s21  }
0xa2: {  	_ =	swait.ge [sflag:s23], s21  }
0xa3: {  	s8 =	ssub.s32 $0x0, s21;
	[sflag:s23] =	ssyncset.done $0x0  }
0xa4: {  	[sflag:s23] =	ssyncadd.s32 s8;
	_ =	sdelay $0x1  }
0xa5: {  	s24 =	simm.s32 $0x1B8B  }
0xa6: {  	_ =	swait.ge [sflag:s24], $0x1  }
0xa7: {  	[sflag:s24] =	ssyncset.done $0x0  }
0xa8: {  	s25 =	simm.s32 $0x1B8E;
	[sflag:s24] =	ssyncadd.s32 $0xFFFFFFFF  }
0xa9: {  	s26 =	simm.s32 $execute0_lowered;
	[smem:$0x3FD2] =	sst s25  }
0xaa: {  	s8 =	sshll.u32 s26, $0x1;
	_ =	strace $0x80000046;
	[dreg:$0x1] =	wrdreg $0xFFFFFFFF  }
0xab: {  	s28 =	simm.s32 $_size_execute0_lowered;
	s7 =	sadd.s32 s7, s8;
	[dreg:$0x0] =	wrdreg $0x0  }
0xac: {  	s8 =	sshll.u32 s28, $0x1;
	[dreg:$0x2] =	wrdreg s7  }
0xad: {  	[dreg:$0x3] =	wrdreg s8  }
0xae: {  	[dreg:$0x4] =	wrdreg $0xC0  }
0xaf: {  	_ =	task [dreg:s11], $0x5FFFF  }
0xb0: {  	[dreg:$0x1] =	wrdreg $0xFFFFFFFF  }
0xb1: {  	[dreg:$0x0] =	wrdreg $0x60  }
0xb2: {  	[dreg:$0x2] =	wrdreg s2  }
0xb3: {  	[dreg:$0x3] =	wrdreg s19  }
0xb4: {  	[dreg:$0x4] =	wrdreg s4  }
0xb5: {  	[dreg:$0x5] =	wrdreg s5  }
0xb6: {  	[dreg:$0x6] =	wrdreg s6  }
0xb7: {  	[dreg:$0x7] =	wrdreg $0x9  }
0xb8: {  	_ =	task.clear_ibuf [dreg:s11], $0x8FFFF;
	_ =	strace $0x90000046  }
0xb9: {  	s29 =	simm.s32 $0x9;
	_ =	strace $0x80000048  }
0xba: {  	_ =	swait.ge [sflag:s29], $0x1  }
0xbb: {  	[sflag:s29] =	ssyncadd.s32 $0xFFFFFFFF  }
0xbc: {  	_ =	strace $0x90000048  }
0xbd: {  	_ =	sfence  }
0xbe: {  	s30 =	sld [smem:$0x0];
	_ =	sdelay $0x2  }
0xbf: {  	s31 =	sshll.u32 s1, $0xD;
	s1 =	sshrl.u32 s1, $0x2  }
0xc0: {  	s3 =	sand.u32 $0x4000, s31;
	s1 =	sadd.s32 s1, s30  }
0xc1: {  	s0 =	sor.u32 s3, s0;
	s1 =	sshll.u32 s1, $0x11  }
0xc2: {  	s0 =	sor.u32 s1, s0  }
0xc3: {  	s0 =	sadd.s32 $0x8F2B, s0  }
0xc4: {  	[sflag:s0] =	ssyncadd.remote.s32 $0x1  }
0xc5: {  	_ =	sfence.sel $0xFFFF  }
0xc6: {  	[dreg:$0x0] =	wrdreg $0xFFFFFFFF;
	(pc) =	sbr.abs _section_cstart, $3  }
0xc7: {  	[dreg:$0x1] =	wrdreg $0xFFFFFFFF  }
0xc8: {  	_ =	task.clear_ibuf [dreg:s11], $0x2FFFF;
	_ =	strace $0x9FFFFFFF  }
0xc9: {  	(tm) =	ssettm $0x7FFFFFFF  }
tec
execute0_lowered:
.L_overlay_start_1:
0x0: {  	(tag) =	ssettag $0x1  }
0x1: {  	s0 =	rddreg [dreg:$0x0]  }
0x2: {  	s3 =	rddreg [dreg:$0x1]  }
0x3: {  	s1 =	rddreg [dreg:$0x2]  }
0x4: {  	s2 =	rddreg [dreg:$0x3]  }
0x5: {  	s4 =	rddreg [dreg:$0x4];
	s5 =	srdreg.scid;
	s9 =	simm.s32 $0x0  }
0x6: {  	s8 =	stileid.u32;
	s10 =	simm.s32 $0x400;
	s11 =	simm.s32 $0x7A1400  }
0x7: {  	s15 =	simm.s32 $0x500;
	s20 =	simm.s32 $0x8500;
	s21 =	simm.s32 $0x1500  }
0x8: {  	s22 =	simm.s32 $0x9500;
	s16 =	simm.s32 $0x2500;
	s17 =	simm.s32 $0xA500  }
0x9: {  	s18 =	simm.s32 $0x3500;
	s19 =	simm.s32 $0xB500;
	s5 =	sand.u32 $0x1, s5  }
0xa: {  	s8 =	sshll.u32 s8, $0x7;
	s6 =	ssub.s32 $0x2, s5;
	s5 =	sshll.u32 s5, $0x6  }
0xb: {  	s29 =	simm.s32 $0x1;
	[smem:$0x7FF] =	sst s9;
	s5 =	sor.u32 s5, s8  }
.Ltmp0:
0xc: {  	_ =	strace $0x80000047;
	s0 =	sadd.s32 s0, s5;
	(pc) =	sbr.rel .LBB2_1-.Ltmp0, $4  }
0xd: {  	v0 =	vlaneseq.u32;
	s7 =	sshrl.u32 s6, $0x1;
	s26 =	sadd.s32 s3, s5;
	[dreg:$0x6] =	wrdreg s0  }
0xe: {  	v1 =	vmul.u32 $0x80, v0;
	s6 =	ssub.s32 s6, s7;
	s28 =	sadd.s32 s4, s5;
	[dreg:$0x7] =	wrdreg s26  }
0xf: {  	vm0 =	vcmask $0x3330;
	vm1 =	vmmov $0x1fff;
	s30 =	simm.s32 $0x2;
	[dreg:$0x8] =	wrdreg s28;
	s31 =	smax.u32 s6, $0x1  }
0x10: {  	vm2 =	vmmov $0x3fff;
	vm3 =	vmmov $0x7fff;
	v2 =	vor.u32 $0x800, v1;
	s4 =	simm.s32 $0x3;
	s3 =	simm.s32 $0x0;
	[dreg:$0x9] =	wrdreg s31  }
.LBB2_6:
0x11: {  	_ =	swait.ge [sflag:s30], $0x1000  }
0x12: {  	[sflag:s30] =	ssyncset.done $0x0  }
0x13: {  	[sflag:s30] =	ssyncadd.s32 $0xFFFFF000  }
0x14: {  	_ =	swait.ge [sflag:s30], $0x1000  }
0x15: {  	[sflag:s30] =	ssyncset.done $0x0  }
0x16: {  	[sflag:s30] =	ssyncadd.s32 $0xFFFFF000  }
0x17: {  	_ =	swait.ge [sflag:s30], $0x1000  }
0x18: {  	[sflag:s30] =	ssyncset.done $0x0  }
0x19: {  	[sflag:s30] =	ssyncadd.s32 $0xFFFFF000  }
0x1a: {  	_ =	swait.ge [sflag:s30], $0x1000  }
0x1b: {  	[sflag:s30] =	ssyncset.done $0x0  }
0x1c: {  	[sflag:s30] =	ssyncadd.s32 $0xFFFFF000  }
0x1d: {  	_ =	swait.ge [sflag:s30], $0x1000  }
0x1e: {  	[sflag:s30] =	ssyncset.done $0x0  }
0x1f: {  	[sflag:s30] =	ssyncadd.s32 $0xFFFFF000  }
0x20: {  	_ =	swait.ge [sflag:s30], $0x1000  }
0x21: {  	[sflag:s30] =	ssyncset.done $0x0  }
0x22: {  	[sflag:s30] =	ssyncadd.s32 $0xFFFFF000  }
0x23: {  	s0 =	sand.u32 $0x7F, s12;
	_ =	swait.ge [sflag:s30], $0x1000  }
0x24: {  	v4 =	vor.u32 s0, v1;
	[sflag:s30] =	ssyncset.done $0x0  }
0x25: {  	s3 =	sand.u32 $0x7F, s14;
	v5 =	vor.u32 s0, v2;
	[sflag:s30] =	ssyncadd.s32 $0xFFFFF000  }
0x26: {  	v6 =	vor.u32 s3, v1;
	_ =	swait.ge [sflag:s30], $0x1000  }
0x27: {  	s14 =	sand.u32 $0x7F, s13;
	v7 =	vor.u32 s3, v2;
	[sflag:s30] =	ssyncset.done $0x0  }
0x28: {  	s4 =	simm.s32 $0x4500;
	v8 =	vor.u32 s14, v1;
	[sflag:s30] =	ssyncadd.s32 $0xFFFFF000  }
0x29: {  	s31 =	sand.u32 $0x7F, s28;
	v9 =	vor.u32 s14, v2;
	v4 =	vld.idx.msk [tilespmem:v4+s4+$0x0], $0xffff  }
0x2a: {  	v10 =	vor.u32 s31, v1;
	s0 =	simm.s32 $0xC500;
	v5 =	vld.idx.msk [tilespmem:v5+s4+$0x0], $0xffff  }
0x2b: {  	v11 =	vor.u32 s31, v2;
	s3 =	sand.u32 $0x7F, s24;
	v6 =	vld.idx.msk [tilespmem:v6+s0+$0x0], $0xffff  }
0x2c: {  	s5 =	simm.s32 $0x5500;
	v12 =	vor.u32 s3, v1;
	v7 =	vld.idx.msk [tilespmem:v7+s0+$0x0], $0xffff  }
0x2d: {  	s6 =	sand.u32 $0x7F, s25;
	v13 =	vor.u32 s3, v2;
	v8 =	vld.idx.msk [tilespmem:v8+s5+$0x0], $0xffff  }
0x2e: {  	s7 =	simm.s32 $0xD500;
	v14 =	vor.u32 s6, v1;
	v9 =	vld.idx.msk [tilespmem:v9+s5+$0x0], $0xffff  }
0x2f: {  	s8 =	sand.u32 $0x7F, s23;
	v15 =	vor.u32 s6, v2;
	v10 =	vld.idx.msk [tilespmem:v10+s7+$0x0], $0xffff  }
0x30: {  	s9 =	simm.s32 $0x6500;
	v16 =	vor.u32 s8, v1;
	v11 =	vld.idx.msk [tilespmem:v11+s7+$0x0], $0xffff  }
0x31: {  	s12 =	sand.u32 $0x7F, s26;
	s13 =	simm.s32 $0x6500;
	v17 =	vor.u32 s8, v2;
	v12 =	vld.idx.msk [tilespmem:v12+s9+$0x0], $0xffff  }
0x32: {  	v18 =	vor.u32 s12, v1;
	s14 =	simm.s32 $0xE500;
	v13 =	vld.idx.msk [tilespmem:v13+s13+$0x0], $0xffff  }
0x33: {  	v19 =	vor.u32 s12, v2;
	v14 =	vld.idx.msk [tilespmem:v14+s14+$0x0], $0xffff  }
0x34: {  	s23 =	simm.s32 $0x7500;
	v15 =	vld.idx.msk [tilespmem:v15+s14+$0x0], $0xffff  }
0x35: {  	v16 =	vld.idx.msk [tilespmem:v16+s23+$0x0], $0xffff  }
0x36: {  	s24 =	simm.s32 $0xF500;
	v17 =	vld.idx.msk [tilespmem:v17+s23+$0x0], $0xffff  }
0x37: {  	v18 =	vld.idx.msk [tilespmem:v18+s24+$0x0], $0xffff  }
0x38: {  	v51 =	vld.idx.msk [tilespmem:v19+s24+$0x0], $0xffff;
	v4 =	vmul.f32 v6, v4;
	v5 =	vmul.f32 v7, v5  }
0x39: {  	v52 =	vmul.f32 v10, v8;
	v53 =	vmul.f32 v11, v9  }
0x3a: {  	v54 =	vmul.f32 v14, v12;
	v55 =	vmul.f32 v15, v13;
	v4 =	vadd.f32 v5, v4  }
0x3b: {  	v7 =	vadd.f32 v53, v52  }
0x3c: {  	v56 =	vadd.f32 v55, v54;
	(xrf2) =	vadd.scan.msk.f32 $0xffff, v4  }
0x3d: {  	v57 =	vmul.f32 v18, v16;
	v6 =	vmul.f32 v51, v17;
	(xrf2) =	vadd.scan.msk.f32 $0xffff, v7  }
0x3e: {  	(xrf2) =	vadd.scan.msk.f32 $0xffff, v56  }
0x3f: {  	v58 =	vadd.f32 v6, v57;
	_ =	sdelay $0x1  }
0x40: {  	(xrf2) =	vadd.scan.msk.f32 $0xffff, v58;
	_ =	sdelay $0x4  }
0x41: {  	v59, _, _ =	vpop (xrf2)  }
0x42: {  	v60, _, _ =	vpop (xrf2);
	v4 =	vbroadcast v59, $0xF  }
0x43: {  	v61, _, _ =	vpop (xrf2);
	v5 =	vbroadcast v60, $0xF  }
0x44: {  	v3 =	vsel vm0, v4, v3;
	v62 =	vbroadcast v61, $0xF  }
0x45: {  	v3 =	vsel vm1, v3, v5  }
0x46: {  	v63, _, _ =	vpop (xrf2);
	v3 =	vsel vm2, v3, v62  }
0x47: {  	s26 =	simm.s32 $0x10500;
	v3 =	vsel vm3, v3, v63  }
0x48: {  	s25 =	rddreg [dreg:$0x8];
	s9 =	simm.s32 $0x0;
	s4 =	simm.s32 $0x3;
	[tilespmem:$0x106F0] =	vst v3  }
0x49: {  	[hbm4b:s25+s9] =	stream.linear.scatter [tilespmem:s26], [sflag:$0x3], $0x200, $0x38;
	[tilespmem:$0x10700] =	vst v63  }
0x4a: {  	_ =	swait.ge [sflag:s4], $0x200  }
0x4b: {  	s28 =	rddreg [dreg:$0xa]  }
0x4c: {  	s31 =	rddreg [dreg:$0x9];
	s3 =	sadd.s32 $0x1, s28  }
0x4d: {  	p0 =	sne.s32 s3, s31  }
.Ltmp1:
0x4e: {  	_ = 	snop;
	(pc) =	sbr.rel @!p0 .LBB2_7-.Ltmp1, $3  }
0x4f: {  	_ =	sdelay $0x1  }
0x50: {  	[sflag:s4] =	ssyncset.done $0x0  }
0x51: {  	[sflag:s4] =	ssyncadd.s32 $0xFFFFFE00  }
.LBB2_1:
0x52: {  	[dreg:$0xa] =	wrdreg s3  }
0x53: {  	s0 =	rddreg [dreg:$0x6]  }
0x54: {  	[tilespmem:s9], [sflag:$0x3] =	stream.linear.gather [hbm4b:s0+s9], $0x200, $0x38;
	[tilespmem:$0x10700] =	vst v63  }
0x55: {  	_ =	swait.ge [sflag:s4], $0x200  }
0x56: {  	s3 =	simm.s32 $0x280;
	[sflag:s4] =	ssyncset.done $0x0  }
.Ltmp2:
0x57: {  	s28 =	rddreg [dreg:$0x7];
	[sflag:s4] =	ssyncadd.s32 $0xFFFFFE00;
	(pc) =	sbr.rel .LBB2_2-.Ltmp2, $4  }
0x58: {  	[tilespmem:s3], [sflag:$0x3] =	stream.linear.gather [hbm4b:s28+s9], $0x200, $0x38;
	[tilespmem:$0x10700] =	vst v63  }
0x59: {  	_ =	swait.ge [sflag:s4], $0x200  }
0x5a: {  	s31 =	simm.s32 $0xFFFFFFFC;
	[sflag:s4] =	ssyncset.done $0x0  }
0x5b: {  	v6 =	vimm.s32 $0x0;
	v3 =	vimm.f32 $0.0e+00;
	s5 =	simm.s32 $0xFFFFFFFF;
	s6 =	simm.s32 $0x0;
	v7 =	vimm.s32 $0x0;
	[sflag:s4] =	ssyncadd.s32 $0xFFFFFE00  }
.LBB2_4:
0x5c: {  	_ =	swait.ge [sflag:s30], $0x1000  }
0x5d: {  	[sflag:s30] =	ssyncset.done $0x0  }
0x5e: {  	[sflag:s30] =	ssyncadd.s32 $0xFFFFF000  }
0x5f: {  	_ =	swait.ge [sflag:s30], $0x1000  }
0x60: {  	[sflag:s30] =	ssyncset.done $0x0  }
0x61: {  	[sflag:s30] =	ssyncadd.s32 $0xFFFFF000  }
0x62: {  	_ =	swait.ge [sflag:s30], $0x1000  }
0x63: {  	[sflag:s30] =	ssyncset.done $0x0  }
0x64: {  	[sflag:s30] =	ssyncadd.s32 $0xFFFFF000  }
0x65: {  	_ =	swait.ge [sflag:s30], $0x1000  }
0x66: {  	[sflag:s30] =	ssyncset.done $0x0  }
0x67: {  	[sflag:s30] =	ssyncadd.s32 $0xFFFFF000  }
0x68: {  	_ =	swait.ge [sflag:s30], $0x1000  }
0x69: {  	[sflag:s30] =	ssyncset.done $0x0  }
0x6a: {  	[sflag:s30] =	ssyncadd.s32 $0xFFFFF000  }
0x6b: {  	_ =	swait.ge [sflag:s30], $0x1000  }
0x6c: {  	[sflag:s30] =	ssyncset.done $0x0  }
0x6d: {  	[sflag:s30] =	ssyncadd.s32 $0xFFFFF000  }
0x6e: {  	_ =	swait.ge [sflag:s30], $0x1000  }
0x6f: {  	[sflag:s30] =	ssyncset.done $0x0  }
0x70: {  	[sflag:s30] =	ssyncadd.s32 $0xFFFFF000  }
0x71: {  	_ =	swait.ge [sflag:s30], $0x1000  }
0x72: {  	(v2sf) =	vpush v7, $0x4;
	_ =	sdelay $0x1  }
0x73: {  	(v2sf) =	vpush v6, $0x4;
	_ =	sdelay $0x1  }
0x74: {  	(v2sf) =	vpush v7, $0x5;
	_ =	sdelay $0x1  }
0x75: {  	(v2sf) =	vpush v6, $0x5;
	_ =	sdelay $0x1  }
0x76: {  	(v2sf) =	vpush v7, $0x6;
	_ =	sdelay $0x1  }
0x77: {  	(v2sf) =	vpush v6, $0x6;
	_ =	sdelay $0x1  }
0x78: {  	(v2sf) =	vpush v7, $0x7;
	_ =	sdelay $0x1  }
0x79: {  	(v2sf) =	vpush v6, $0x7  }
0x7a: {  	s12 =	spop (v2sf)  }
0x7b: {  	s12 =	sand.u32 $0x7F, s12  }
0x7c: {  	s13 =	spop (v2sf);
	v6 =	vor.u32 s12, v1  }
0x7d: {  	s13 =	sand.u32 $0x7F, s13;
	v7 =	vor.u32 s12, v2  }
0x7e: {  	s26 =	spop (v2sf);
	v8 =	vor.u32 s13, v1  }
0x7f: {  	[sflag:s30] =	ssyncset.done $0x0;
	v9 =	vor.u32 s13, v2;
	s12 =	sand.u32 $0x7F, s26  }
0x80: {  	s15 =	simm.s32 $0x4500;
	[sflag:s30] =	ssyncadd.s32 $0xFFFFF000;
	s28 =	spop (v2sf);
	v10 =	vor.u32 s12, v1  }
0x81: {  	s13 =	sand.u32 $0x7F, s28;
	v11 =	vor.u32 s12, v2;
	v6 =	vld.idx.msk [tilespmem:v6+s15+$0x0], $0xffff  }
0x82: {  	s23 =	simm.s32 $0xC500;
	s14 =	spop (v2sf);
	v12 =	vor.u32 s13, v1;
	v7 =	vld.idx.msk [tilespmem:v7+s15+$0x0], $0xffff  }
0x83: {  	v13 =	vor.u32 s13, v2;
	s12 =	sand.u32 $0x7F, s14;
	v8 =	vld.idx.msk [tilespmem:v8+s23+$0x0], $0xffff  }
0x84: {  	s24 =	simm.s32 $0x5500;
	s16 =	spop (v2sf);
	v14 =	vor.u32 s12, v1;
	v9 =	vld.idx.msk [tilespmem:v9+s23+$0x0], $0xffff  }
0x85: {  	s13 =	sand.u32 $0x7F, s16;
	v15 =	vor.u32 s12, v2;
	v10 =	vld.idx.msk [tilespmem:v10+s24+$0x0], $0xffff  }
0x86: {  	s25 =	simm.s32 $0xD500;
	s17 =	spop (v2sf);
	v16 =	vor.u32 s13, v1;
	v11 =	vld.idx.msk [tilespmem:v11+s24+$0x0], $0xffff  }
0x87: {  	v17 =	vor.u32 s13, v2;
	s12 =	sand.u32 $0x7F, s17;
	v12 =	vld.idx.msk [tilespmem:v12+s25+$0x0], $0xffff  }
0x88: {  	s26 =	simm.s32 $0x6500;
	s18 =	spop (v2sf);
	v18 =	vor.u32 s12, v1;
	v13 =	vld.idx.msk [tilespmem:v13+s25+$0x0], $0xffff  }
0x89: {  	s13 =	sand.u32 $0x7F, s18;
	v19 =	vor.u32 s12, v2;
	v14 =	vld.idx.msk [tilespmem:v14+s26+$0x0], $0xffff  }
0x8a: {  	s16 =	simm.s32 $0xE500;
	v20 =	vor.u32 s13, v1;
	v15 =	vld.idx.msk [tilespmem:v15+s26+$0x0], $0xffff  }
0x8b: {  	v21 =	vor.u32 s13, v2;
	v16 =	vld.idx.msk [tilespmem:v16+s16+$0x0], $0xffff  }
0x8c: {  	s17 =	simm.s32 $0x7500;
	v17 =	vld.idx.msk [tilespmem:v17+s16+$0x0], $0xffff  }
0x8d: {  	v18 =	vld.idx.msk [tilespmem:v18+s17+$0x0], $0xffff  }
0x8e: {  	s18 =	simm.s32 $0xF500;
	v19 =	vld.idx.msk [tilespmem:v19+s17+$0x0], $0xffff  }
0x8f: {  	v20 =	vld.idx.msk [tilespmem:v20+s18+$0x0], $0xffff  }
0x90: {  	v21 =	vld.idx.msk [tilespmem:v21+s18+$0x0], $0xffff  }
0x91: {  	v6 =	vmul.f32 v8, v6;
	v7 =	vmul.f32 v9, v7  }
0x92: {  	v55 =	vmul.f32 v12, v10;
	v56 =	vmul.f32 v13, v11  }
0x93: {  	v6 =	vadd.f32 v7, v6  }
0x94: {  	v7 =	vadd.f32 v56, v55;
	v57 =	vmul.f32 v16, v14;
	v58 =	vmul.f32 v17, v15  }
0x95: {  	(xrf2) =	vadd.scan.msk.f32 $0xffff, v6;
	v6 =	vmul.f32 v20, v18;
	v59 =	vmul.f32 v21, v19  }
0x96: {  	(xrf2) =	vadd.scan.msk.f32 $0xffff, v7;
	v7 =	vadd.f32 v58, v57  }
0x97: {  	v6 =	vadd.f32 v59, v6  }
0x98: {  	(xrf2) =	vadd.scan.msk.f32 $0xffff, v7  }
0x99: {  	(xrf2) =	vadd.scan.msk.f32 $0xffff, v6;
	_ =	sdelay $0x4  }
0x9a: {  	s12 =	sand.u32 $0x3, s5  }
0x9b: {  	s28 =	sshll.u32 s12, $0x2;
	v6, _, _ =	vpop (xrf2)  }
0x9c: {  	v60 =	vmov s28;
	s14 =	sor.u32 $0x1, s28;
	v6 =	vbroadcast v6, $0xF;
	v7, _, _ =	vpop (xrf2)  }
0x9d: {  	vm4 =	veq.s32 v60, v0;
	v61 =	vmov s14;
	v7 =	vbroadcast v7, $0xF  }
0x9e: {  	s13 =	sor.u32 $0x2, s28;
	v3 =	vsel vm4, v6, v3;
	vm4 =	veq.s32 v61, v0;
	v62, _, _ =	vpop (xrf2)  }
0x9f: {  	s28 =	sshllo.u32 s12, $0x2;
	v6 =	vmov s13;
	v3 =	vsel vm4, v7, v3;
	v7 =	vbroadcast v62, $0xF;
	v63, _, _ =	vpop (xrf2)  }
0xa0: {  	vm4 =	veq.s32 v6, v0;
	v6 =	vmov s28;
	v8 =	vbroadcast v63, $0xF  }
0xa1: {  	p0 =	sne.s32 s12, $0x3;
	v3 =	vsel vm4, v7, v3;
	vm4 =	veq.s32 v6, v0  }
0xa2: {  	s12 =	sand.u32 @!p0 $0x7FFFFFF0, s31;
	v3 =	vsel vm4, v8, v3  }
0xa3: {  	[tilespmem:s12+$0x10500] =	vst @!p0 v3;
	v3 =	vpsel !p0, $0x0, v3  }
.LBB2_5:
0xa4: {  	(v2sf) =	vpush v4, $0x4;
	_ =	sdelay $0x1  }
0xa5: {  	(v2sf) =	vpush v5, $0x4;
	_ =	sdelay $0x4  }
0xa6: {  	(v2sf) =	vpush v4, $0x5;
	_ =	sdelay $0x1  }
0xa7: {  	(v2sf) =	vpush v5, $0x5;
	_ =	sdelay $0x1  }
0xa8: {  	(v2sf) =	vpush v4, $0x6;
	_ =	sdelay $0x3  }
0xa9: {  	s12 =	spop (v2sf)  }
0xaa: {  	(v2sf) =	vpush v5, $0x6;
	s13 =	sand.u32 $0xFFFFF80, s12  }
0xab: {  	s14 =	spop (v2sf);
	s13 =	sadd.s32 s1, s13  }
0xac: {  	(v2sf) =	vpush v4, $0x7;
	[tilespmem:s15], [sflag:$0x2] =	stream.strided.gather [hbm4b:s13+s10], $0x1000, s11, s10, $0x38;
	[tilespmem:$0x10700] =	vst v63  }
0xad: {  	s15 =	sand.u32 $0xFFFFF80, s14  }
0xae: {  	s13 =	sadd.s32 s2, s15  }
0xaf: {  	[tilespmem:s23], [sflag:$0x2] =	stream.strided.gather [hbm4b:s13+s10], $0x1000, s11, s10, $0x38;
	[tilespmem:$0x10700] =	vst v63  }
0xb0: {  	s13 =	spop (v2sf)  }
0xb1: {  	(v2sf) =	vpush v5, $0x7;
	s15 =	sand.u32 $0xFFFFF80, s13  }
0xb2: {  	s28 =	spop (v2sf);
	s23 =	sadd.s32 s1, s15  }
0xb3: {  	[tilespmem:s24], [sflag:$0x2] =	stream.strided.gather [hbm4b:s23+s10], $0x1000, s11, s10, $0x38;
	[tilespmem:$0x10700] =	vst v63  }
0xb4: {  	s15 =	sand.u32 $0xFFFFF80, s28;
	s24 =	spop (v2sf)  }
0xb5: {  	s23 =	sadd.s32 s2, s15;
	s15 =	sand.u32 $0xFFFFF80, s24  }
0xb6: {  	[tilespmem:s25], [sflag:$0x2] =	stream.strided.gather [hbm4b:s23+s10], $0x1000, s11, s10, $0x38;
	[tilespmem:$0x10700] =	vst v63  }
0xb7: {  	s23 =	sadd.s32 s1, s15  }
0xb8: {  	[tilespmem:s26], [sflag:$0x2] =	stream.strided.gather [hbm4b:s23+s10], $0x1000, s11, s10, $0x38;
	[tilespmem:$0x10700] =	vst v63  }
0xb9: {  	s25 =	spop (v2sf)  }
0xba: {  	s15 =	sand.u32 $0xFFFFF80, s25  }
0xbb: {  	s23 =	spop (v2sf);
	s26 =	sadd.s32 s2, s15  }
0xbc: {  	[tilespmem:s16], [sflag:$0x2] =	stream.strided.gather [hbm4b:s26+s10], $0x1000, s11, s10, $0x38;
	[tilespmem:$0x10700] =	vst v63  }
0xbd: {  	s16 =	sand.u32 $0xFFFFF80, s23  }
0xbe: {  	s26 =	sadd.s32 s1, s16  }
0xbf: {  	[tilespmem:s17], [sflag:$0x2] =	stream.strided.gather [hbm4b:s26+s10], $0x1000, s11, s10, $0x38;
	[tilespmem:$0x10700] =	vst v63  }
0xc0: {  	s26 =	spop (v2sf)  }
0xc1: {  	s17 =	sand.u32 $0xFFFFF80, s26  }
0xc2: {  	s15 =	sadd.s32 s2, s17  }
0xc3: {  	[tilespmem:s18], [sflag:$0x2] =	stream.strided.gather [hbm4b:s15+s10], $0x1000, s11, s10, $0x38;
	[tilespmem:$0x10700] =	vst v63  }
0xc4: {  	_ =	swait.ge [sflag:s29], $0x1000  }
0xc5: {  	[sflag:s29] =	ssyncset.done $0x0  }
0xc6: {  	[sflag:s29] =	ssyncadd.s32 $0xFFFFF000  }
0xc7: {  	_ =	swait.ge [sflag:s29], $0x1000  }
0xc8: {  	[sflag:s29] =	ssyncset.done $0x0  }
0xc9: {  	[sflag:s29] =	ssyncadd.s32 $0xFFFFF000  }
0xca: {  	_ =	swait.ge [sflag:s29], $0x1000  }
0xcb: {  	[sflag:s29] =	ssyncset.done $0x0  }
0xcc: {  	[sflag:s29] =	ssyncadd.s32 $0xFFFFF000  }
0xcd: {  	_ =	swait.ge [sflag:s29], $0x1000  }
0xce: {  	[sflag:s29] =	ssyncset.done $0x0  }
0xcf: {  	[sflag:s29] =	ssyncadd.s32 $0xFFFFF000  }
0xd0: {  	_ =	swait.ge [sflag:s29], $0x1000  }
0xd1: {  	[sflag:s29] =	ssyncset.done $0x0  }
0xd2: {  	[sflag:s29] =	ssyncadd.s32 $0xFFFFF000  }
0xd3: {  	_ =	swait.ge [sflag:s29], $0x1000  }
0xd4: {  	[sflag:s29] =	ssyncset.done $0x0  }
0xd5: {  	[sflag:s29] =	ssyncadd.s32 $0xFFFFF000  }
0xd6: {  	_ =	swait.ge [sflag:s29], $0x1000  }
0xd7: {  	v6 =	vor.u32 s22, v1;
	[sflag:s29] =	ssyncset.done $0x0  }
0xd8: {  	v7 =	vor.u32 s22, v2;
	[sflag:s29] =	ssyncadd.s32 $0xFFFFF000  }
0xd9: {  	v8 =	vor.u32 s7, v1;
	_ =	swait.ge [sflag:s29], $0x1000  }
0xda: {  	v9 =	vor.u32 s21, v1;
	[sflag:s29] =	ssyncset.done $0x0  }
0xdb: {  	v10 =	vor.u32 s21, v2;
	s15 =	simm.s32 $0x500;
	[sflag:s29] =	ssyncadd.s32 $0xFFFFF000  }
0xdc: {  	v11 =	vor.u32 s8, v1;
	v6 =	vld.idx.msk [tilespmem:v6+s15+$0x0], $0xffff  }
0xdd: {  	v12 =	vor.u32 s20, v1;
	v13 =	vor.u32 s20, v2;
	s20 =	simm.s32 $0x8500;
	v7 =	vld.idx.msk [tilespmem:v7+s15+$0x0], $0xffff  }
0xde: {  	s21 =	simm.s32 $0x1500;
	v8 =	vld.idx.msk [tilespmem:v8+s20+$0x0], $0xffff  }
0xdf: {  	v14 =	vor.u32 s4, v1;
	v9 =	vld.idx.msk [tilespmem:v9+s21+$0x0], $0xffff  }
0xe0: {  	v15 =	vor.u32 s0, v1;
	s22 =	simm.s32 $0x9500;
	v10 =	vld.idx.msk [tilespmem:v10+s21+$0x0], $0xffff  }
0xe1: {  	v16 =	vor.u32 s0, v2;
	s16 =	simm.s32 $0x2500;
	v11 =	vld.idx.msk [tilespmem:v11+s22+$0x0], $0xffff  }
0xe2: {  	v17 =	vor.u32 s9, v1;
	v12 =	vld.idx.msk [tilespmem:v12+s16+$0x0], $0xffff  }
0xe3: {  	v18 =	vor.u32 s9, v2;
	s17 =	simm.s32 $0xA500;
	v13 =	vld.idx.msk [tilespmem:v13+s16+$0x0], $0xffff  }
0xe4: {  	v19 =	vor.u32 s4, v2;
	s18 =	simm.s32 $0x3500;
	v14 =	vld.idx.msk [tilespmem:v14+s17+$0x0], $0xffff  }
0xe5: {  	v20 =	vor.u32 s8, v2;
	v15 =	vld.idx.msk [tilespmem:v15+s18+$0x0], $0xffff  }
0xe6: {  	v21 =	vor.u32 s7, v2;
	v16 =	vld.idx.msk [tilespmem:v16+s18+$0x0], $0xffff  }
0xe7: {  	v17 =	vld.idx.msk [tilespmem:v17+s19+$0x0], $0xffff  }
0xe8: {  	v18 =	vld.idx.msk [tilespmem:v18+s19+$0x0], $0xffff  }
0xe9: {  	v19 =	vld.idx.msk [tilespmem:v19+s17+$0x0], $0xffff  }
0xea: {  	v20 =	vld.idx.msk [tilespmem:v20+s22+$0x0], $0xffff  }
0xeb: {  	v21 =	vld.idx.msk [tilespmem:v21+s20+$0x0], $0xffff;
	_ =	sdelay $0x1  }
0xec: {  	v15 =	vmul.f32 v17, v15;
	v16 =	vmul.f32 v18, v16  }
0xed: {  	v12 =	vmul.f32 v14, v12;
	v13 =	vmul.f32 v19, v13  }
0xee: {  	v9 =	vmul.f32 v11, v9;
	v10 =	vmul.f32 v20, v10;
	v57 =	vadd.f32 v16, v15  }
0xef: {  	v6 =	vmul.f32 v8, v6;
	v7 =	vmul.f32 v21, v7;
	v58 =	vadd.f32 v13, v12  }
0xf0: {  	v8 =	vadd.f32 v10, v9;
	(xrf2) =	vadd.scan.msk.f32 $0xffff, v57  }
0xf1: {  	v6 =	vadd.f32 v7, v6;
	(xrf2) =	vadd.scan.msk.f32 $0xffff, v58  }
0xf2: {  	(xrf2) =	vadd.scan.msk.f32 $0xffff, v8  }
0xf3: {  	(xrf2) =	vadd.scan.msk.f32 $0xffff, v6;
	_ =	sdelay $0x6  }
0xf4: {  	v6, _, _ =	vpop (xrf2)  }
0xf5: {  	s7 =	sadd.s32 $0x4, s31;
	v7, _, _ =	vpop (xrf2)  }
0xf6: {  	s31 =	sadd.s32 $0x8, s31;
	s0 =	sand.u32 $0x8, s7;
	v8, _, _ =	vpop (xrf2)  }
0xf7: {  	s8 =	sor.u32 $0x3, s0;
	s9 =	sor.u32 $0x2, s0;
	v62 =	vmov s0;
	s0 =	sor.u32 $0x1, s0;
	v60, _, _ =	vpop (xrf2)  }
0xf8: {  	p0 =	sne.s32 s31, $0x1FC;
	v63 =	vmov s0;
	v6 =	vbroadcast v6, $0xF;
	v10 =	vbroadcast v60, $0xF  }
.Ltmp3:
0xf9: {  	vm4 =	veq.s32 v62, v0;
	v7 =	vbroadcast v7, $0xF;
	v8 =	vbroadcast v8, $0xF;
	(pc) =	sbr.rel @!p0 .LBB2_6-.Ltmp3, $4  }
0xfa: {  	v61 =	vmov s9;
	vm5 =	veq.s32 v63, v0;
	v3 =	vsel vm4, v10, v3  }
0xfb: {  	v59 =	vmov s8;
	vm4 =	veq.s32 v61, v0;
	v3 =	vsel vm5, v8, v3  }
0xfc: {  	vm5 =	veq.s32 v59, v0;
	v3 =	vsel vm4, v7, v3  }
0xfd: {  	s5 =	sadd.s32 $0x2, s5;
	s6 =	sadd.s32 $0x8, s6;
	s3 =	sadd.s32 $0x8, s3;
	v7 =	vmov v4;
	v3 =	vsel vm5, v6, v3;
	v6 =	vmov v5  }
.LBB2_2:
0xfe: {  	v4 =	vld [tilespmem:s6+$0x0];
	_ =	sdelay $0x1  }
0xff: {  	v5 =	vld [tilespmem:s3+$0x0];
	_ =	sdelay $0x2  }
0x100: {  	(v2sf) =	vpush v4, $0x0;
	_ =	sdelay $0x1  }
0x101: {  	(v2sf) =	vpush v5, $0x0;
	_ =	sdelay $0x2  }
0x102: {  	(v2sf) =	vpush v4, $0x1;
	_ =	sdelay $0x1  }
0x103: {  	(v2sf) =	vpush v5, $0x1  }
0x104: {  	(v2sf) =	vpush v4, $0x2;
	_ =	sdelay $0x1  }
0x105: {  	(v2sf) =	vpush v5, $0x2;
	_ =	sdelay $0x4  }
0x106: {  	s0 =	spop (v2sf)  }
0x107: {  	(v2sf) =	vpush v4, $0x3;
	s4 =	sand.u32 $0xFFFFF80, s0  }
0x108: {  	s7 =	spop (v2sf);
	(v2sf) =	vpush v5, $0x3;
	s4 =	sadd.s32 s1, s4  }
0x109: {  	[tilespmem:s15], [sflag:$0x1] =	stream.strided.gather [hbm4b:s4+s10], $0x1000, s11, s10, $0x38;
	[tilespmem:$0x10700] =	vst v63  }
0x10a: {  	s15 =	sand.u32 $0xFFFFF80, s7  }
0x10b: {  	s8 =	spop (v2sf);
	s4 =	sadd.s32 s2, s15  }
0x10c: {  	[tilespmem:s20], [sflag:$0x1] =	stream.strided.gather [hbm4b:s4+s10], $0x1000, s11, s10, $0x38;
	[tilespmem:$0x10700] =	vst v63  }
0x10d: {  	s9 =	spop (v2sf);
	s20 =	sand.u32 $0xFFFFF80, s8  }
0x10e: {  	s23 =	sand.u32 $0xFFFFF80, s9;
	s12 =	spop (v2sf);
	s4 =	sadd.s32 s1, s20  }
0x10f: {  	[tilespmem:s21], [sflag:$0x1] =	stream.strided.gather [hbm4b:s4+s10], $0x1000, s11, s10, $0x38;
	[tilespmem:$0x10700] =	vst v63  }
0x110: {  	s24 =	sand.u32 $0xFFFFF80, s12;
	s13 =	spop (v2sf);
	s4 =	sadd.s32 s2, s23  }
0x111: {  	[tilespmem:s22], [sflag:$0x1] =	stream.strided.gather [hbm4b:s4+s10], $0x1000, s11, s10, $0x38;
	[tilespmem:$0x10700] =	vst v63  }
0x112: {  	s25 =	sand.u32 $0xFFFFF80, s13;
	s4 =	sadd.s32 s1, s24  }
0x113: {  	[tilespmem:s16], [sflag:$0x1] =	stream.strided.gather [hbm4b:s4+s10], $0x1000, s11, s10, $0x38;
	[tilespmem:$0x10700] =	vst v63  }
0x114: {  	p0 =	seq.s32 s31, $0xFFFFFFFC;
	s4 =	sadd.s32 s2, s25  }
0x115: {  	[tilespmem:s17], [sflag:$0x1] =	stream.strided.gather [hbm4b:s4+s10], $0x1000, s11, s10, $0x38;
	[tilespmem:$0x10700] =	vst v63  }
0x116: {  	s7 =	sand.u32 $0x7F, s7;
	s20 =	sand.u32 $0x7F, s12;
	s14 =	spop (v2sf)  }
0x117: {  	s21 =	sand.u32 $0x7F, s8;
	s26 =	sand.u32 $0xFFFFF80, s14;
	s23 =	spop (v2sf)  }
.Ltmp4:
0x118: {  	s4 =	sadd.s32 s1, s26;
	s28 =	sand.u32 $0xFFFFF80, s23;
	(pc) =	sbr.rel @!p0 .LBB2_4-.Ltmp4, $4  }
0x119: {  	[tilespmem:s18], [sflag:$0x1] =	stream.strided.gather [hbm4b:s4+s10], $0x1000, s11, s10, $0x38;
	[tilespmem:$0x10700] =	vst v63  }
0x11a: {  	s8 =	sand.u32 $0x7F, s9;
	s22 =	sand.u32 $0x7F, s0;
	s0 =	sadd.s32 s2, s28  }
0x11b: {  	[tilespmem:s19], [sflag:$0x1] =	stream.strided.gather [hbm4b:s0+s10], $0x1000, s11, s10, $0x38;
	[tilespmem:$0x10700] =	vst v63  }
0x11c: {  	s9 =	sand.u32 $0x7F, s23;
	s4 =	sand.u32 $0x7F, s13;
	s0 =	sand.u32 $0x7F, s14  }
.Ltmp5:
0x11d: {  	(pc) =	sbr.rel .LBB2_5-.Ltmp5, $4  }
0x11e: {  	_ = 	snop  }
0x11f: {  	s15 =	simm.s32 $0x4500;
	s23 =	simm.s32 $0xC500  }
0x120: {  	s24 =	simm.s32 $0x5500;
	s25 =	simm.s32 $0xD500;
	s26 =	simm.s32 $0x6500  }
0x121: {  	s16 =	simm.s32 $0xE500;
	s17 =	simm.s32 $0x7500;
	s18 =	simm.s32 $0xF500  }
.LBB2_7:
0x122: {  	_ =	sfence.sel $0x180000  }
0x123: {  	[bflag:$0x0] =	sbarrier.arrive $0xFFFF  }
0x124: {  	_ =	strace $0x90000047  }
0x125: {  	s0 =	stileid.u32;
	[bflag:$0x2] =	sbarrier.arrive $0xFFFF  }
0x126: {  	p0 =	sne.s32 s0, $0x0;
	s0 =	rddreg [dreg:$0x5]  }
0x127: {  	s0 =	sadd.s32 @!p0 $0x100000, s0  }
0x128: {  	[sflag:s0] =	ssyncadd.tile.s32 @!p0 $0x1;
	_ =	shalt  }
.Lfunc_end2:
_tile_overlayer_lowered:
.L_overlay_start_2:
0x129: {  	(tag) =	ssettag $0x2  }
0x12a: {  	s0 =	rddreg [dreg:$0x0];
	s2 =	stileid.u32  }
0x12b: {  	s1 =	rddreg [dreg:$0x1];
	p0 =	sne.s32 s2, $0x0  }
0x12c: {  	s3 =	rddreg [dreg:$0x2];
	[bflag:$0x3] =	sbarrier.arrive $0xFFFF;
	s2 =	simm.s32 @!p0 $0x1C03  }
0x12d: {  	[timem:s3], [sflag:s2] =	dma.local @!p0 [hbm:s0], s1  }
0x12e: {  	s0 =	simm.s32 @!p0 $0x3  }
0x12f: {  	_ =	swait.ge @!p0 [sflag:s0], s1  }
0x130: {  	s1 =	ssub.s32 @!p0 $0x0, s1;
	[sflag:s0] =	ssyncset.done @!p0 $0x0  }
0x131: {  	[sflag:s0] =	ssyncadd.s32 @!p0 s1  }
0x132: {  	[bflag:$0x3] =	sbarrier.arrive $0xFFFF  }
0x133: {  	_ =	shalt  }

</sc_bundles>
